<compile_context>
chip_gen: v7x
topology: tpu7x:2x2x1
jax: 0.10.2.dev20260603
libtpu: 0.0.44.dev20260713+nightly
codegen_flags: <defaults>
</compile_context>

<pallas_src>
import functools

import jax
import jax.numpy as jnp
from jax import lax
from jax.experimental import pallas as pl
from jax.experimental.pallas import tpu as pltpu
from jax.experimental.pallas import tpu_sc as plsc

_MAXD = 512
_D = 128
_N = 100000
_NC = 2
_NS = 16
_NW = _NC * _NS
_BPW = 3128
_CH = 128
_NBUF = 6
_NGRP = 4
_NPAIR = _NBUF // 2
_TAIL = _BPW - 24 * _CH
_LASTN = _N - (_NW - 1) * _BPW
_LAST = _LASTN - 23 * _CH
_IDXBUF = 3136

_mesh = plsc.VectorSubcoreMesh(core_axis_name="c", subcore_axis_name="s")


@functools.partial(
    pl.kernel,
    out_type=jax.ShapeDtypeStruct((_N, _D), jnp.float32),
    mesh=_mesh,
    scratch_types=[
        pltpu.VMEM((_IDXBUF,), jnp.int32),
        pltpu.VMEM((_NBUF * _CH + _TAIL, _D), jnp.float32),
        pltpu.VMEM_SHARED((_MAXD, _D), jnp.float32),
        [pltpu.SemaphoreType.DMA] * _NBUF,
        [pltpu.SemaphoreType.DMA] * _NPAIR,
        pltpu.SemaphoreType.DMA,
    ],
)
def _degree_gather(deg_hbm, table_hbm, out_hbm, idx_v, rows_v, table_sp,
                   gsem, wsem, tsem):
    sid = lax.axis_index("s")
    wid = sid * _NC + lax.axis_index("c")
    base = wid * _BPW
    last = wid == _NW - 1

    @pl.when(sid == 0)
    def _():
        pltpu.make_async_copy(table_hbm, table_sp, tsem).start()

    @pl.when(~last)
    def _():
        pltpu.sync_copy(deg_hbm.at[pl.ds(base, _BPW)], idx_v.at[pl.ds(0, _BPW)])

    @pl.when(last)
    def _():
        pltpu.sync_copy(
            deg_hbm.at[pl.ds(base, _LASTN)],
            idx_v.at[pl.ds(0, _LASTN)],
        )

    def clamp_chunk(off):
        for k in range(_CH // 16):
            v = idx_v[pl.ds(off + k * 16, 16)]
            idx_v[pl.ds(off + k * 16, 16)] = (
                jnp.minimum(jnp.maximum(v, 0), _MAXD - 1))

    @pl.when(sid == 0)
    def _():
        pltpu.make_async_copy(table_hbm, table_sp, tsem).wait()

    plsc.subcore_barrier()

    def gather(off, nrows, j):
        return pltpu.make_async_copy(
            table_sp.at[idx_v.at[pl.ds(off, nrows)]],
            rows_v.at[pl.ds(j * _CH, nrows)],
            gsem[j],
        )

    def write(off, nrows, p):
        return pltpu.make_async_copy(
            rows_v.at[pl.ds(2 * p * _CH, nrows)],
            out_hbm.at[pl.ds(base + off, nrows)],
            wsem[p],
        )

    def write_desc(nrows, p):
        return pltpu.make_async_copy(
            rows_v.at[pl.ds(2 * p * _CH, nrows)],
            out_hbm.at[pl.ds(base, nrows)],
            wsem[p],
        )

    def tail_gather():
        return pltpu.make_async_copy(
            table_sp.at[idx_v.at[pl.ds(24 * _CH, _TAIL)]],
            rows_v.at[pl.ds(_NBUF * _CH, _TAIL)],
            tsem,
        )

    def group(g, carry):
        final = g == _NGRP - 1
        for j in range(_NBUF):
            clamp_chunk((g * _NBUF + j) * _CH)
            if j % 2 == 0:
                @pl.when(g > 0)
                def _():
                    write_desc(2 * _CH, j // 2).wait()

            gather((g * _NBUF + j) * _CH, _CH, j).start()

        @pl.when(jnp.logical_and(final, ~last))
        def _():
            for k in range(_TAIL // 16 + 1):
                off = 24 * _CH + k * 16
                v = idx_v[pl.ds(off, 16)]
                idx_v[pl.ds(off, 16)] = (
                    jnp.minimum(jnp.maximum(v, 0), _MAXD - 1))
            tail_gather().start()

        for p in range(_NPAIR):
            gather(0, _CH, 2 * p).wait()
            gather(0, _CH, 2 * p + 1).wait()
            c = g * _NBUF + 2 * p
            if p == _NPAIR - 1:
                @pl.when(~final)
                def _():
                    write(c * _CH, 2 * _CH, p).start()

                @pl.when(jnp.logical_and(final, ~last))
                def _():
                    tail_gather().wait()
                    write(c * _CH, 2 * _CH + _TAIL, p).start()

                @pl.when(jnp.logical_and(final, last))
                def _():
                    write(c * _CH, _CH + _LAST, p).start()
            else:
                write(c * _CH, 2 * _CH, p).start()
        return carry

    lax.fori_loop(0, _NGRP, group, 0)

    for p in range(_NPAIR - 1):
        write_desc(2 * _CH, p).wait()

    @pl.when(~last)
    def _():
        write_desc(2 * _CH + _TAIL, _NPAIR - 1).wait()

    @pl.when(last)
    def _():
        write_desc(_CH + _LAST, _NPAIR - 1).wait()


def kernel(degrees, degree_embedding):
    return _degree_gather(degrees.astype(jnp.int32), degree_embedding)

# --- scband reference (transcript-rebuilt; emitter-appended) ---
"""Pipeline reference for scband-degree-encoder-17308718203038 (READ-ONLY COPY).

The authoritative reference and input builder live on the scoring server;
editing this copy changes nothing except your own understanding.
"""

import jax, jax.numpy as jnp
import numpy as np

MAX_DEGREE = 512
HIDDEN_DIM = 128
N_NODES = 100000

def setup_inputs(seed: int = 0) -> dict:
    key = jax.random.key(seed)
    k1, k2 = jax.random.split(key)
    degrees = jax.random.randint(k1, (N_NODES,), 0, MAX_DEGREE, dtype=jnp.int64 if jax.config.read('jax_enable_x64') else jnp.int32)
    degree_embedding = jax.random.normal(k2, (MAX_DEGREE, HIDDEN_DIM), dtype=jnp.float32)
    return {"degrees": degrees, "degree_embedding": degree_embedding}

def reference(degrees, degree_embedding):
    # degrees.clamp(0, max_degree - 1) followed by embedding lookup
    idx = jnp.clip(degrees, 0, MAX_DEGREE - 1)
    return jnp.take(degree_embedding, idx, axis=0)

if __name__ == "__main__":
    import jax
    _d = setup_inputs()
    print(jax.jit(kernel)(*tuple(_d.values())))

</pallas_src>

<mosaic_0001>
#map = affine_map<(d0, d1) -> (0)>
#map1 = affine_map<(d0, d1) -> (0, 0)>
module attributes {stable_mosaic.version = 14 : i64} {
  func.func @_degree_gather(%arg0: i32, %arg1: i32, %arg2: memref<100000xi32, #tpu.memory_space<hbm>>, %arg3: memref<512x128xf32, #tpu.memory_space<hbm>>, %arg4: memref<100000x128xf32, #tpu.memory_space<hbm>>, %arg5: memref<3136xi32, #tpu.memory_space<vmem>>, %arg6: memref<824x128xf32, #tpu.memory_space<vmem>>, %arg7: memref<512x128xf32, #tpu.memory_space<vmem_shared>>, %arg8: memref<!tpu.dma_semaphore, #tpu.memory_space<semaphore_mem>>, %arg9: memref<!tpu.dma_semaphore, #tpu.memory_space<semaphore_mem>>, %arg10: memref<!tpu.dma_semaphore, #tpu.memory_space<semaphore_mem>>, %arg11: memref<!tpu.dma_semaphore, #tpu.memory_space<semaphore_mem>>, %arg12: memref<!tpu.dma_semaphore, #tpu.memory_space<semaphore_mem>>, %arg13: memref<!tpu.dma_semaphore, #tpu.memory_space<semaphore_mem>>, %arg14: memref<!tpu.dma_semaphore, #tpu.memory_space<semaphore_mem>>, %arg15: memref<!tpu.dma_semaphore, #tpu.memory_space<semaphore_mem>>, %arg16: memref<!tpu.dma_semaphore, #tpu.memory_space<semaphore_mem>>, %arg17: memref<!tpu.dma_semaphore, #tpu.memory_space<semaphore_mem>>) attributes {dimension_semantics = [#tpu.dimension_semantics<core_parallel>, #tpu.dimension_semantics<subcore_parallel>], iteration_bounds = array<i64: 2, 16>, scalar_prefetch = 0 : i64, scratch_operands = 13 : i64, tpu.core_type = #tpu.core_type<sc_vector_subcore>, window_params = [{transform_indices = #map}, {transform_indices = #map1}, {transform_indices = #map1}]} {
    %mul3A = arith.constant 2 : i32
    %mul3A_0 = arith.muli %arg1, %mul3A : i32
    %add3A = arith.addi %mul3A_0, %arg0 : i32
    %mul3A_1 = arith.constant 3128 : i32
    %mul3A_2 = arith.muli %add3A, %mul3A_1 : i32
    %eq3A = arith.constant 31 : i32
    %eq3A_3 = arith.cmpi eq, %add3A, %eq3A : i32
    %eq3A_4 = arith.constant 0 : i32
    %eq3A_5 = arith.cmpi eq, %arg1, %eq3A_4 : i32
    %convert_element_type3A = arith.extui %eq3A_5 : i1 to i32
    %cond3A = arith.constant 0 : i32
    %cond3A_6 = arith.cmpi ne, %convert_element_type3A, %cond3A : i32
    scf.if %cond3A_6 {
      tpu.enqueue_dma source(%arg3 : memref<512x128xf32, #tpu.memory_space<hbm>>) target(%arg7 : memref<512x128xf32, #tpu.memory_space<vmem_shared>>) target_semaphore(%arg17 : memref<!tpu.dma_semaphore, #tpu.memory_space<semaphore_mem>>)
    } else {
    }
    %not3A = arith.constant true
    %not3A_7 = arith.xori %eq3A_3, %not3A : i1
    %convert_element_type3A_8 = arith.extui %not3A_7 : i1 to i32
    %cond3A_9 = arith.constant 0 : i32
    %cond3A_10 = arith.cmpi ne, %convert_element_type3A_8, %cond3A_9 : i32
    scf.if %cond3A_10 {
      "tpu.region"() ({
        %run_scoped3A = tpu.sem_alloc : memref<!tpu.dma_semaphore, #tpu.memory_space<semaphore_mem>>
        %dma_start3A = arith.constant 0 : i32
        %dma_start3A_51 = tpu.memref_slice %arg5[%dma_start3A] : memref<3136xi32, #tpu.memory_space<vmem>> -> memref<3128xi32, #tpu.memory_space<vmem>>
        %dma_start3A_52 = tpu.memref_slice %arg2[%mul3A_2] : memref<100000xi32, #tpu.memory_space<hbm>> -> memref<3128xi32, #tpu.memory_space<hbm>>
        %dma_start3A_53 = arith.constant 0 : i32
        %dma_start3A_54 = tpu.memref_slice %arg5[%dma_start3A_53] : memref<3136xi32, #tpu.memory_space<vmem>> -> memref<3128xi32, #tpu.memory_space<vmem>>
        %dma_start3A_55 = tpu.memref_slice %arg2[%mul3A_2] : memref<100000xi32, #tpu.memory_space<hbm>> -> memref<3128xi32, #tpu.memory_space<hbm>>
        tpu.enqueue_dma source(%dma_start3A_55 : memref<3128xi32, #tpu.memory_space<hbm>>) target(%dma_start3A_54 : memref<3128xi32, #tpu.memory_space<vmem>>) target_semaphore(%run_scoped3A : memref<!tpu.dma_semaphore, #tpu.memory_space<semaphore_mem>>)
        %dma_wait3A_56 = arith.constant 0 : i32
        %dma_wait3A_57 = tpu.memref_slice %arg5[%dma_wait3A_56] : memref<3136xi32, #tpu.memory_space<vmem>> -> memref<3128xi32, #tpu.memory_space<vmem>>
        %dma_wait3A_58 = tpu.memref_slice %arg2[%mul3A_2] : memref<100000xi32, #tpu.memory_space<hbm>> -> memref<3128xi32, #tpu.memory_space<hbm>>
        %dma_wait3A_59 = arith.constant 0 : i32
        %dma_wait3A_60 = tpu.memref_slice %arg5[%dma_wait3A_59] : memref<3136xi32, #tpu.memory_space<vmem>> -> memref<3128xi32, #tpu.memory_space<vmem>>
        %dma_wait3A_61 = tpu.memref_slice %arg2[%mul3A_2] : memref<100000xi32, #tpu.memory_space<hbm>> -> memref<3128xi32, #tpu.memory_space<hbm>>
        tpu.wait_dma2 semaphore(%run_scoped3A : memref<!tpu.dma_semaphore, #tpu.memory_space<semaphore_mem>>) src(%dma_wait3A_61 : memref<3128xi32, #tpu.memory_space<hbm>>) dst(%dma_wait3A_60 : memref<3128xi32, #tpu.memory_space<vmem>>)
        tpu.yield
      }) : () -> ()
    } else {
    }
    %convert_element_type3A_11 = arith.extui %eq3A_3 : i1 to i32
    %cond3A_12 = arith.constant 0 : i32
    %cond3A_13 = arith.cmpi ne, %convert_element_type3A_11, %cond3A_12 : i32
    scf.if %cond3A_13 {
      "tpu.region"() ({
        %run_scoped3A = tpu.sem_alloc : memref<!tpu.dma_semaphore, #tpu.memory_space<semaphore_mem>>
        %dma_start3A = arith.constant 0 : i32
        %dma_start3A_51 = tpu.memref_slice %arg5[%dma_start3A] : memref<3136xi32, #tpu.memory_space<vmem>> -> memref<3032xi32, #tpu.memory_space<vmem>>
        %dma_start3A_52 = tpu.memref_slice %arg2[%mul3A_2] : memref<100000xi32, #tpu.memory_space<hbm>> -> memref<3032xi32, #tpu.memory_space<hbm>>
        %dma_start3A_53 = arith.constant 0 : i32
        %dma_start3A_54 = tpu.memref_slice %arg5[%dma_start3A_53] : memref<3136xi32, #tpu.memory_space<vmem>> -> memref<3032xi32, #tpu.memory_space<vmem>>
        %dma_start3A_55 = tpu.memref_slice %arg2[%mul3A_2] : memref<100000xi32, #tpu.memory_space<hbm>> -> memref<3032xi32, #tpu.memory_space<hbm>>
        tpu.enqueue_dma source(%dma_start3A_55 : memref<3032xi32, #tpu.memory_space<hbm>>) target(%dma_start3A_54 : memref<3032xi32, #tpu.memory_space<vmem>>) target_semaphore(%run_scoped3A : memref<!tpu.dma_semaphore, #tpu.memory_space<semaphore_mem>>)
        %dma_wait3A_56 = arith.constant 0 : i32
        %dma_wait3A_57 = tpu.memref_slice %arg5[%dma_wait3A_56] : memref<3136xi32, #tpu.memory_space<vmem>> -> memref<3032xi32, #tpu.memory_space<vmem>>
        %dma_wait3A_58 = tpu.memref_slice %arg2[%mul3A_2] : memref<100000xi32, #tpu.memory_space<hbm>> -> memref<3032xi32, #tpu.memory_space<hbm>>
        %dma_wait3A_59 = arith.constant 0 : i32
        %dma_wait3A_60 = tpu.memref_slice %arg5[%dma_wait3A_59] : memref<3136xi32, #tpu.memory_space<vmem>> -> memref<3032xi32, #tpu.memory_space<vmem>>
        %dma_wait3A_61 = tpu.memref_slice %arg2[%mul3A_2] : memref<100000xi32, #tpu.memory_space<hbm>> -> memref<3032xi32, #tpu.memory_space<hbm>>
        tpu.wait_dma2 semaphore(%run_scoped3A : memref<!tpu.dma_semaphore, #tpu.memory_space<semaphore_mem>>) src(%dma_wait3A_61 : memref<3032xi32, #tpu.memory_space<hbm>>) dst(%dma_wait3A_60 : memref<3032xi32, #tpu.memory_space<vmem>>)
        tpu.yield
      }) : () -> ()
    } else {
    }
    %eq3A_14 = arith.constant 0 : i32
    %eq3A_15 = arith.cmpi eq, %arg1, %eq3A_14 : i32
    %convert_element_type3A_16 = arith.extui %eq3A_15 : i1 to i32
    %cond3A_17 = arith.constant 0 : i32
    %cond3A_18 = arith.cmpi ne, %convert_element_type3A_16, %cond3A_17 : i32
    scf.if %cond3A_18 {
      tpu.wait_dma2 semaphore(%arg17 : memref<!tpu.dma_semaphore, #tpu.memory_space<semaphore_mem>>) src(%arg3 : memref<512x128xf32, #tpu.memory_space<hbm>>) dst(%arg7 : memref<512x128xf32, #tpu.memory_space<vmem_shared>>)
    } else {
    }
    %barrier3A = arith.constant 0 : index
    tpu.barrier barrier_id(%barrier3A)
    %scan3A = arith.constant 0 : i32
    %scan3A_19 = arith.constant 0 : i32
    %scan3A_20 = arith.constant 4 : i32
    %scan3A_21 = arith.addi %scan3A_19, %scan3A_20 : i32
    %scan3A_22 = arith.constant 1 : i32
    scf.for %scan3A_51 = %scan3A_19 to %scan3A_21 step %scan3A_22  : i32 {
      %eq3A_52 = arith.constant 3 : i32
      %eq3A_53 = arith.cmpi eq, %scan3A_51, %eq3A_52 : i32
      %mul3A_54 = arith.constant 6 : i32
      %mul3A_55 = arith.muli %scan3A_51, %mul3A_54 : i32
      %add3A_56 = arith.constant 0 : i32
      %add3A_57 = arith.addi %mul3A_55, %add3A_56 : i32
      %mul3A_58 = arith.constant 128 : i32
      %mul3A_59 = arith.muli %add3A_57, %mul3A_58 : i32
      %add3A_60 = arith.constant 0 : i32
      %add3A_61 = arith.addi %mul3A_59, %add3A_60 : i32
      %get3A = arith.index_cast %add3A_61 : i32 to index
      %get3A_62 = tpu.vector_load %arg5[%get3A] {strides = array<i32>} : memref<3136xi32, #tpu.memory_space<vmem>>, vector<16xi32>,
      %get3A_63 = vector.shape_cast %get3A_62 : vector<16xi32> to vector<16xi32>
      %max3A = arith.constant 0 : i32
      %max3A_64 = vector.broadcast %max3A : i32 to vector<16xi32>
      %max3A_65 = arith.maxsi %get3A_63, %max3A_64 : vector<16xi32>
      %min3A = arith.constant 511 : i32
      %min3A_66 = vector.broadcast %min3A : i32 to vector<16xi32>
      %min3A_67 = arith.minsi %max3A_65, %min3A_66 : vector<16xi32>
      %add3A_68 = arith.constant 0 : i32
      %add3A_69 = arith.addi %mul3A_59, %add3A_68 : i32
      %swap3A = arith.index_cast %add3A_69 : i32 to index
      %swap3A_70 = tpu.vector_load %arg5[%swap3A] {strides = array<i32>} : memref<3136xi32, #tpu.memory_space<vmem>>, vector<16xi32>,
      %swap3A_71 = vector.shape_cast %swap3A_70 : vector<16xi32> to vector<16xi32>
      %swap3A_72 = vector.shape_cast %min3A_67 : vector<16xi32> to vector<16xi32>
      tpu.vector_store %arg5[%swap3A], %swap3A_72 {strides = array<i32>} : memref<3136xi32, #tpu.memory_space<vmem>>, vector<16xi32>,
      %add3A_73 = arith.constant 16 : i32
      %add3A_74 = arith.addi %mul3A_59, %add3A_73 : i32
      %get3A_75 = arith.index_cast %add3A_74 : i32 to index
      %get3A_76 = tpu.vector_load %arg5[%get3A_75] {strides = array<i32>} : memref<3136xi32, #tpu.memory_space<vmem>>, vector<16xi32>,
      %get3A_77 = vector.shape_cast %get3A_76 : vector<16xi32> to vector<16xi32>
      %max3A_78 = arith.constant 0 : i32
      %max3A_79 = vector.broadcast %max3A_78 : i32 to vector<16xi32>
      %max3A_80 = arith.maxsi %get3A_77, %max3A_79 : vector<16xi32>
      %min3A_81 = arith.constant 511 : i32
      %min3A_82 = vector.broadcast %min3A_81 : i32 to vector<16xi32>
      %min3A_83 = arith.minsi %max3A_80, %min3A_82 : vector<16xi32>
      %add3A_84 = arith.constant 16 : i32
      %add3A_85 = arith.addi %mul3A_59, %add3A_84 : i32
      %swap3A_86 = arith.index_cast %add3A_85 : i32 to index
      %swap3A_87 = tpu.vector_load %arg5[%swap3A_86] {strides = array<i32>} : memref<3136xi32, #tpu.memory_space<vmem>>, vector<16xi32>,
      %swap3A_88 = vector.shape_cast %swap3A_87 : vector<16xi32> to vector<16xi32>
      %swap3A_89 = vector.shape_cast %min3A_83 : vector<16xi32> to vector<16xi32>
      tpu.vector_store %arg5[%swap3A_86], %swap3A_89 {strides = array<i32>} : memref<3136xi32, #tpu.memory_space<vmem>>, vector<16xi32>,
      %add3A_90 = arith.constant 32 : i32
      %add3A_91 = arith.addi %mul3A_59, %add3A_90 : i32
      %get3A_92 = arith.index_cast %add3A_91 : i32 to index
      %get3A_93 = tpu.vector_load %arg5[%get3A_92] {strides = array<i32>} : memref<3136xi32, #tpu.memory_space<vmem>>, vector<16xi32>,
      %get3A_94 = vector.shape_cast %get3A_93 : vector<16xi32> to vector<16xi32>
      %max3A_95 = arith.constant 0 : i32
      %max3A_96 = vector.broadcast %max3A_95 : i32 to vector<16xi32>
      %max3A_97 = arith.maxsi %get3A_94, %max3A_96 : vector<16xi32>
      %min3A_98 = arith.constant 511 : i32
      %min3A_99 = vector.broadcast %min3A_98 : i32 to vector<16xi32>
      %min3A_100 = arith.minsi %max3A_97, %min3A_99 : vector<16xi32>
      %add3A_101 = arith.constant 32 : i32
      %add3A_102 = arith.addi %mul3A_59, %add3A_101 : i32
      %swap3A_103 = arith.index_cast %add3A_102 : i32 to index
      %swap3A_104 = tpu.vector_load %arg5[%swap3A_103] {strides = array<i32>} : memref<3136xi32, #tpu.memory_space<vmem>>, vector<16xi32>,
      %swap3A_105 = vector.shape_cast %swap3A_104 : vector<16xi32> to vector<16xi32>
      %swap3A_106 = vector.shape_cast %min3A_100 : vector<16xi32> to vector<16xi32>
      tpu.vector_store %arg5[%swap3A_103], %swap3A_106 {strides = array<i32>} : memref<3136xi32, #tpu.memory_space<vmem>>, vector<16xi32>,
      %add3A_107 = arith.constant 48 : i32
      %add3A_108 = arith.addi %mul3A_59, %add3A_107 : i32
      %get3A_109 = arith.index_cast %add3A_108 : i32 to index
      %get3A_110 = tpu.vector_load %arg5[%get3A_109] {strides = array<i32>} : memref<3136xi32, #tpu.memory_space<vmem>>, vector<16xi32>,
      %get3A_111 = vector.shape_cast %get3A_110 : vector<16xi32> to vector<16xi32>
      %max3A_112 = arith.constant 0 : i32
      %max3A_113 = vector.broadcast %max3A_112 : i32 to vector<16xi32>
      %max3A_114 = arith.maxsi %get3A_111, %max3A_113 : vector<16xi32>
      %min3A_115 = arith.constant 511 : i32
      %min3A_116 = vector.broadcast %min3A_115 : i32 to vector<16xi32>
      %min3A_117 = arith.minsi %max3A_114, %min3A_116 : vector<16xi32>
      %add3A_118 = arith.constant 48 : i32
      %add3A_119 = arith.addi %mul3A_59, %add3A_118 : i32
      %swap3A_120 = arith.index_cast %add3A_119 : i32 to index
      %swap3A_121 = tpu.vector_load %arg5[%swap3A_120] {strides = array<i32>} : memref<3136xi32, #tpu.memory_space<vmem>>, vector<16xi32>,
      %swap3A_122 = vector.shape_cast %swap3A_121 : vector<16xi32> to vector<16xi32>
      %swap3A_123 = vector.shape_cast %min3A_117 : vector<16xi32> to vector<16xi32>
      tpu.vector_store %arg5[%swap3A_120], %swap3A_123 {strides = array<i32>} : memref<3136xi32, #tpu.memory_space<vmem>>, vector<16xi32>,
      %add3A_124 = arith.constant 64 : i32
      %add3A_125 = arith.addi %mul3A_59, %add3A_124 : i32
      %get3A_126 = arith.index_cast %add3A_125 : i32 to index
      %get3A_127 = tpu.vector_load %arg5[%get3A_126] {strides = array<i32>} : memref<3136xi32, #tpu.memory_space<vmem>>, vector<16xi32>,
      %get3A_128 = vector.shape_cast %get3A_127 : vector<16xi32> to vector<16xi32>
      %max3A_129 = arith.constant 0 : i32
      %max3A_130 = vector.broadcast %max3A_129 : i32 to vector<16xi32>
      %max3A_131 = arith.maxsi %get3A_128, %max3A_130 : vector<16xi32>
      %min3A_132 = arith.constant 511 : i32
      %min3A_133 = vector.broadcast %min3A_132 : i32 to vector<16xi32>
      %min3A_134 = arith.minsi %max3A_131, %min3A_133 : vector<16xi32>
      %add3A_135 = arith.constant 64 : i32
      %add3A_136 = arith.addi %mul3A_59, %add3A_135 : i32
      %swap3A_137 = arith.index_cast %add3A_136 : i32 to index
      %swap3A_138 = tpu.vector_load %arg5[%swap3A_137] {strides = array<i32>} : memref<3136xi32, #tpu.memory_space<vmem>>, vector<16xi32>,
      %swap3A_139 = vector.shape_cast %swap3A_138 : vector<16xi32> to vector<16xi32>
      %swap3A_140 = vector.shape_cast %min3A_134 : vector<16xi32> to vector<16xi32>
      tpu.vector_store %arg5[%swap3A_137], %swap3A_140 {strides = array<i32>} : memref<3136xi32, #tpu.memory_space<vmem>>, vector<16xi32>,
      %add3A_141 = arith.constant 80 : i32
      %add3A_142 = arith.addi %mul3A_59, %add3A_141 : i32
      %get3A_143 = arith.index_cast %add3A_142 : i32 to index
      %get3A_144 = tpu.vector_load %arg5[%get3A_143] {strides = array<i32>} : memref<3136xi32, #tpu.memory_space<vmem>>, vector<16xi32>,
      %get3A_145 = vector.shape_cast %get3A_144 : vector<16xi32> to vector<16xi32>
      %max3A_146 = arith.constant 0 : i32
      %max3A_147 = vector.broadcast %max3A_146 : i32 to vector<16xi32>
      %max3A_148 = arith.maxsi %get3A_145, %max3A_147 : vector<16xi32>
      %min3A_149 = arith.constant 511 : i32
      %min3A_150 = vector.broadcast %min3A_149 : i32 to vector<16xi32>
      %min3A_151 = arith.minsi %max3A_148, %min3A_150 : vector<16xi32>
      %add3A_152 = arith.constant 80 : i32
      %add3A_153 = arith.addi %mul3A_59, %add3A_152 : i32
      %swap3A_154 = arith.index_cast %add3A_153 : i32 to index
      %swap3A_155 = tpu.vector_load %arg5[%swap3A_154] {strides = array<i32>} : memref<3136xi32, #tpu.memory_space<vmem>>, vector<16xi32>,
      %swap3A_156 = vector.shape_cast %swap3A_155 : vector<16xi32> to vector<16xi32>
      %swap3A_157 = vector.shape_cast %min3A_151 : vector<16xi32> to vector<16xi32>
      tpu.vector_store %arg5[%swap3A_154], %swap3A_157 {strides = array<i32>} : memref<3136xi32, #tpu.memory_space<vmem>>, vector<16xi32>,
      %add3A_158 = arith.constant 96 : i32
      %add3A_159 = arith.addi %mul3A_59, %add3A_158 : i32
      %get3A_160 = arith.index_cast %add3A_159 : i32 to index
      %get3A_161 = tpu.vector_load %arg5[%get3A_160] {strides = array<i32>} : memref<3136xi32, #tpu.memory_space<vmem>>, vector<16xi32>,
      %get3A_162 = vector.shape_cast %get3A_161 : vector<16xi32> to vector<16xi32>
      %max3A_163 = arith.constant 0 : i32
      %max3A_164 = vector.broadcast %max3A_163 : i32 to vector<16xi32>
      %max3A_165 = arith.maxsi %get3A_162, %max3A_164 : vector<16xi32>
      %min3A_166 = arith.constant 511 : i32
      %min3A_167 = vector.broadcast %min3A_166 : i32 to vector<16xi32>
      %min3A_168 = arith.minsi %max3A_165, %min3A_167 : vector<16xi32>
      %add3A_169 = arith.constant 96 : i32
      %add3A_170 = arith.addi %mul3A_59, %add3A_169 : i32
      %swap3A_171 = arith.index_cast %add3A_170 : i32 to index
      %swap3A_172 = tpu.vector_load %arg5[%swap3A_171] {strides = array<i32>} : memref<3136xi32, #tpu.memory_space<vmem>>, vector<16xi32>,
      %swap3A_173 = vector.shape_cast %swap3A_172 : vector<16xi32> to vector<16xi32>
      %swap3A_174 = vector.shape_cast %min3A_168 : vector<16xi32> to vector<16xi32>
      tpu.vector_store %arg5[%swap3A_171], %swap3A_174 {strides = array<i32>} : memref<3136xi32, #tpu.memory_space<vmem>>, vector<16xi32>,
      %add3A_175 = arith.constant 112 : i32
      %add3A_176 = arith.addi %mul3A_59, %add3A_175 : i32
      %get3A_177 = arith.index_cast %add3A_176 : i32 to index
      %get3A_178 = tpu.vector_load %arg5[%get3A_177] {strides = array<i32>} : memref<3136xi32, #tpu.memory_space<vmem>>, vector<16xi32>,
      %get3A_179 = vector.shape_cast %get3A_178 : vector<16xi32> to vector<16xi32>
      %max3A_180 = arith.constant 0 : i32
      %max3A_181 = vector.broadcast %max3A_180 : i32 to vector<16xi32>
      %max3A_182 = arith.maxsi %get3A_179, %max3A_181 : vector<16xi32>
      %min3A_183 = arith.constant 511 : i32
      %min3A_184 = vector.broadcast %min3A_183 : i32 to vector<16xi32>
      %min3A_185 = arith.minsi %max3A_182, %min3A_184 : vector<16xi32>
      %add3A_186 = arith.constant 112 : i32
      %add3A_187 = arith.addi %mul3A_59, %add3A_186 : i32
      %swap3A_188 = arith.index_cast %add3A_187 : i32 to index
      %swap3A_189 = tpu.vector_load %arg5[%swap3A_188] {strides = array<i32>} : memref<3136xi32, #tpu.memory_space<vmem>>, vector<16xi32>,
      %swap3A_190 = vector.shape_cast %swap3A_189 : vector<16xi32> to vector<16xi32>
      %swap3A_191 = vector.shape_cast %min3A_185 : vector<16xi32> to vector<16xi32>
      tpu.vector_store %arg5[%swap3A_188], %swap3A_191 {strides = array<i32>} : memref<3136xi32, #tpu.memory_space<vmem>>, vector<16xi32>,
      %gt3A = arith.constant 0 : i32
      %gt3A_192 = arith.cmpi sgt, %scan3A_51, %gt3A : i32
      %convert_element_type3A_193 = arith.extui %gt3A_192 : i1 to i32
      %cond3A_194 = arith.constant 0 : i32
      %cond3A_195 = arith.cmpi ne, %convert_element_type3A_193, %cond3A_194 : i32
      scf.if %cond3A_195 {
        %dma_wait3A_1099 = arith.constant 0 : i32
        %dma_wait3A_1100 = arith.constant 0 : i32
        %dma_wait3A_1101 = tpu.memref_slice %arg6[%dma_wait3A_1099, %dma_wait3A_1100] : memref<824x128xf32, #tpu.memory_space<vmem>> -> memref<256x128xf32, #tpu.memory_space<vmem>>
        %dma_wait3A_1102 = arith.constant 0 : i32
        %dma_wait3A_1103 = tpu.memref_slice %arg4[%mul3A_2, %dma_wait3A_1102] : memref<100000x128xf32, #tpu.memory_space<hbm>> -> memref<256x128xf32, #tpu.memory_space<hbm>>
        %dma_wait3A_1104 = arith.constant 0 : i32
        %dma_wait3A_1105 = tpu.memref_slice %arg4[%mul3A_2, %dma_wait3A_1104] : memref<100000x128xf32, #tpu.memory_space<hbm>> -> memref<256x128xf32, #tpu.memory_space<hbm>>
        %dma_wait3A_1106 = arith.constant 0 : i32
        %dma_wait3A_1107 = arith.constant 0 : i32
        %dma_wait3A_1108 = tpu.memref_slice %arg6[%dma_wait3A_1106, %dma_wait3A_1107] : memref<824x128xf32, #tpu.memory_space<vmem>> -> memref<256x128xf32, #tpu.memory_space<vmem>>
        tpu.wait_dma2 semaphore(%arg14 : memref<!tpu.dma_semaphore, #tpu.memory_space<semaphore_mem>>) src(%dma_wait3A_1108 : memref<256x128xf32, #tpu.memory_space<vmem>>) dst(%dma_wait3A_1105 : memref<256x128xf32, #tpu.memory_space<hbm>>)
      } else {
      }
      %mul3A_196 = arith.constant 6 : i32
      %mul3A_197 = arith.muli %scan3A_51, %mul3A_196 : i32
      %add3A_198 = arith.constant 0 : i32
      %add3A_199 = arith.addi %mul3A_197, %add3A_198 : i32
      %mul3A_200 = arith.constant 128 : i32
      %mul3A_201 = arith.muli %add3A_199, %mul3A_200 : i32
      %dma_start3A = arith.constant 0 : i32
      %dma_start3A_202 = arith.constant 0 : i32
      %dma_start3A_203 = tpu.memref_slice %arg6[%dma_start3A, %dma_start3A_202] : memref<824x128xf32, #tpu.memory_space<vmem>> -> memref<128x128xf32, #tpu.memory_space<vmem>>
      %dma_start3A_204 = tpu.memref_slice %arg5[%mul3A_201] : memref<3136xi32, #tpu.memory_space<vmem>> -> memref<128xi32, #tpu.memory_space<vmem>>
      %dma_start3A_205 = arith.constant 0 : i32
      %dma_start3A_206 = arith.constant 0 : i32
      %dma_start3A_207 = tpu.memref_slice %arg7[%dma_start3A_205, %dma_start3A_206] : memref<512x128xf32, #tpu.memory_space<vmem_shared>> -> memref<512x128xf32, #tpu.memory_space<vmem_shared>>
      tpu.enqueue_indirect_dma source(%dma_start3A_207 : memref<512x128xf32, #tpu.memory_space<vmem_shared>>) target(%dma_start3A_203 : memref<128x128xf32, #tpu.memory_space<vmem>>) offsets(%dma_start3A_204 : memref<128xi32, #tpu.memory_space<vmem>>) semaphore(%arg8 : memref<!tpu.dma_semaphore, #tpu.memory_space<semaphore_mem>>)
      %mul3A_208 = arith.constant 6 : i32
      %mul3A_209 = arith.muli %scan3A_51, %mul3A_208 : i32
      %add3A_210 = arith.constant 1 : i32
      %add3A_211 = arith.addi %mul3A_209, %add3A_210 : i32
      %mul3A_212 = arith.constant 128 : i32
      %mul3A_213 = arith.muli %add3A_211, %mul3A_212 : i32
      %add3A_214 = arith.constant 0 : i32
      %add3A_215 = arith.addi %mul3A_213, %add3A_214 : i32
      %get3A_216 = arith.index_cast %add3A_215 : i32 to index
      %get3A_217 = tpu.vector_load %arg5[%get3A_216] {strides = array<i32>} : memref<3136xi32, #tpu.memory_space<vmem>>, vector<16xi32>,
      %get3A_218 = vector.shape_cast %get3A_217 : vector<16xi32> to vector<16xi32>
      %max3A_219 = arith.constant 0 : i32
      %max3A_220 = vector.broadcast %max3A_219 : i32 to vector<16xi32>
      %max3A_221 = arith.maxsi %get3A_218, %max3A_220 : vector<16xi32>
      %min3A_222 = arith.constant 511 : i32
      %min3A_223 = vector.broadcast %min3A_222 : i32 to vector<16xi32>
      %min3A_224 = arith.minsi %max3A_221, %min3A_223 : vector<16xi32>
      %add3A_225 = arith.constant 0 : i32
      %add3A_226 = arith.addi %mul3A_213, %add3A_225 : i32
      %swap3A_227 = arith.index_cast %add3A_226 : i32 to index
      %swap3A_228 = tpu.vector_load %arg5[%swap3A_227] {strides = array<i32>} : memref<3136xi32, #tpu.memory_space<vmem>>, vector<16xi32>,
      %swap3A_229 = vector.shape_cast %swap3A_228 : vector<16xi32> to vector<16xi32>
      %swap3A_230 = vector.shape_cast %min3A_224 : vector<16xi32> to vector<16xi32>
      tpu.vector_store %arg5[%swap3A_227], %swap3A_230 {strides = array<i32>} : memref<3136xi32, #tpu.memory_space<vmem>>, vector<16xi32>,
      %add3A_231 = arith.constant 16 : i32
      %add3A_232 = arith.addi %mul3A_213, %add3A_231 : i32
      %get3A_233 = arith.index_cast %add3A_232 : i32 to index
      %get3A_234 = tpu.vector_load %arg5[%get3A_233] {strides = array<i32>} : memref<3136xi32, #tpu.memory_space<vmem>>, vector<16xi32>,
      %get3A_235 = vector.shape_cast %get3A_234 : vector<16xi32> to vector<16xi32>
      %max3A_236 = arith.constant 0 : i32
      %max3A_237 = vector.broadcast %max3A_236 : i32 to vector<16xi32>
      %max3A_238 = arith.maxsi %get3A_235, %max3A_237 : vector<16xi32>
      %min3A_239 = arith.constant 511 : i32
      %min3A_240 = vector.broadcast %min3A_239 : i32 to vector<16xi32>
      %min3A_241 = arith.minsi %max3A_238, %min3A_240 : vector<16xi32>
      %add3A_242 = arith.constant 16 : i32
      %add3A_243 = arith.addi %mul3A_213, %add3A_242 : i32
      %swap3A_244 = arith.index_cast %add3A_243 : i32 to index
      %swap3A_245 = tpu.vector_load %arg5[%swap3A_244] {strides = array<i32>} : memref<3136xi32, #tpu.memory_space<vmem>>, vector<16xi32>,
      %swap3A_246 = vector.shape_cast %swap3A_245 : vector<16xi32> to vector<16xi32>
      %swap3A_247 = vector.shape_cast %min3A_241 : vector<16xi32> to vector<16xi32>
      tpu.vector_store %arg5[%swap3A_244], %swap3A_247 {strides = array<i32>} : memref<3136xi32, #tpu.memory_space<vmem>>, vector<16xi32>,
      %add3A_248 = arith.constant 32 : i32
      %add3A_249 = arith.addi %mul3A_213, %add3A_248 : i32
      %get3A_250 = arith.index_cast %add3A_249 : i32 to index
      %get3A_251 = tpu.vector_load %arg5[%get3A_250] {strides = array<i32>} : memref<3136xi32, #tpu.memory_space<vmem>>, vector<16xi32>,
      %get3A_252 = vector.shape_cast %get3A_251 : vector<16xi32> to vector<16xi32>
      %max3A_253 = arith.constant 0 : i32
      %max3A_254 = vector.broadcast %max3A_253 : i32 to vector<16xi32>
      %max3A_255 = arith.maxsi %get3A_252, %max3A_254 : vector<16xi32>
      %min3A_256 = arith.constant 511 : i32
      %min3A_257 = vector.broadcast %min3A_256 : i32 to vector<16xi32>
      %min3A_258 = arith.minsi %max3A_255, %min3A_257 : vector<16xi32>
      %add3A_259 = arith.constant 32 : i32
      %add3A_260 = arith.addi %mul3A_213, %add3A_259 : i32
      %swap3A_261 = arith.index_cast %add3A_260 : i32 to index
      %swap3A_262 = tpu.vector_load %arg5[%swap3A_261] {strides = array<i32>} : memref<3136xi32, #tpu.memory_space<vmem>>, vector<16xi32>,
      %swap3A_263 = vector.shape_cast %swap3A_262 : vector<16xi32> to vector<16xi32>
      %swap3A_264 = vector.shape_cast %min3A_258 : vector<16xi32> to vector<16xi32>
      tpu.vector_store %arg5[%swap3A_261], %swap3A_264 {strides = array<i32>} : memref<3136xi32, #tpu.memory_space<vmem>>, vector<16xi32>,
      %add3A_265 = arith.constant 48 : i32
      %add3A_266 = arith.addi %mul3A_213, %add3A_265 : i32
      %get3A_267 = arith.index_cast %add3A_266 : i32 to index
      %get3A_268 = tpu.vector_load %arg5[%get3A_267] {strides = array<i32>} : memref<3136xi32, #tpu.memory_space<vmem>>, vector<16xi32>,
      %get3A_269 = vector.shape_cast %get3A_268 : vector<16xi32> to vector<16xi32>
      %max3A_270 = arith.constant 0 : i32
      %max3A_271 = vector.broadcast %max3A_270 : i32 to vector<16xi32>
      %max3A_272 = arith.maxsi %get3A_269, %max3A_271 : vector<16xi32>
      %min3A_273 = arith.constant 511 : i32
      %min3A_274 = vector.broadcast %min3A_273 : i32 to vector<16xi32>
      %min3A_275 = arith.minsi %max3A_272, %min3A_274 : vector<16xi32>
      %add3A_276 = arith.constant 48 : i32
      %add3A_277 = arith.addi %mul3A_213, %add3A_276 : i32
      %swap3A_278 = arith.index_cast %add3A_277 : i32 to index
      %swap3A_279 = tpu.vector_load %arg5[%swap3A_278] {strides = array<i32>} : memref<3136xi32, #tpu.memory_space<vmem>>, vector<16xi32>,
      %swap3A_280 = vector.shape_cast %swap3A_279 : vector<16xi32> to vector<16xi32>
      %swap3A_281 = vector.shape_cast %min3A_275 : vector<16xi32> to vector<16xi32>
      tpu.vector_store %arg5[%swap3A_278], %swap3A_281 {strides = array<i32>} : memref<3136xi32, #tpu.memory_space<vmem>>, vector<16xi32>,
      %add3A_282 = arith.constant 64 : i32
      %add3A_283 = arith.addi %mul3A_213, %add3A_282 : i32
      %get3A_284 = arith.index_cast %add3A_283 : i32 to index
      %get3A_285 = tpu.vector_load %arg5[%get3A_284] {strides = array<i32>} : memref<3136xi32, #tpu.memory_space<vmem>>, vector<16xi32>,
      %get3A_286 = vector.shape_cast %get3A_285 : vector<16xi32> to vector<16xi32>
      %max3A_287 = arith.constant 0 : i32
      %max3A_288 = vector.broadcast %max3A_287 : i32 to vector<16xi32>
      %max3A_289 = arith.maxsi %get3A_286, %max3A_288 : vector<16xi32>
      %min3A_290 = arith.constant 511 : i32
      %min3A_291 = vector.broadcast %min3A_290 : i32 to vector<16xi32>
      %min3A_292 = arith.minsi %max3A_289, %min3A_291 : vector<16xi32>
      %add3A_293 = arith.constant 64 : i32
      %add3A_294 = arith.addi %mul3A_213, %add3A_293 : i32
      %swap3A_295 = arith.index_cast %add3A_294 : i32 to index
      %swap3A_296 = tpu.vector_load %arg5[%swap3A_295] {strides = array<i32>} : memref<3136xi32, #tpu.memory_space<vmem>>, vector<16xi32>,
      %swap3A_297 = vector.shape_cast %swap3A_296 : vector<16xi32> to vector<16xi32>
      %swap3A_298 = vector.shape_cast %min3A_292 : vector<16xi32> to vector<16xi32>
      tpu.vector_store %arg5[%swap3A_295], %swap3A_298 {strides = array<i32>} : memref<3136xi32, #tpu.memory_space<vmem>>, vector<16xi32>,
      %add3A_299 = arith.constant 80 : i32
      %add3A_300 = arith.addi %mul3A_213, %add3A_299 : i32
      %get3A_301 = arith.index_cast %add3A_300 : i32 to index
      %get3A_302 = tpu.vector_load %arg5[%get3A_301] {strides = array<i32>} : memref<3136xi32, #tpu.memory_space<vmem>>, vector<16xi32>,
      %get3A_303 = vector.shape_cast %get3A_302 : vector<16xi32> to vector<16xi32>
      %max3A_304 = arith.constant 0 : i32
      %max3A_305 = vector.broadcast %max3A_304 : i32 to vector<16xi32>
      %max3A_306 = arith.maxsi %get3A_303, %max3A_305 : vector<16xi32>
      %min3A_307 = arith.constant 511 : i32
      %min3A_308 = vector.broadcast %min3A_307 : i32 to vector<16xi32>
      %min3A_309 = arith.minsi %max3A_306, %min3A_308 : vector<16xi32>
      %add3A_310 = arith.constant 80 : i32
      %add3A_311 = arith.addi %mul3A_213, %add3A_310 : i32
      %swap3A_312 = arith.index_cast %add3A_311 : i32 to index
      %swap3A_313 = tpu.vector_load %arg5[%swap3A_312] {strides = array<i32>} : memref<3136xi32, #tpu.memory_space<vmem>>, vector<16xi32>,
      %swap3A_314 = vector.shape_cast %swap3A_313 : vector<16xi32> to vector<16xi32>
      %swap3A_315 = vector.shape_cast %min3A_309 : vector<16xi32> to vector<16xi32>
      tpu.vector_store %arg5[%swap3A_312], %swap3A_315 {strides = array<i32>} : memref<3136xi32, #tpu.memory_space<vmem>>, vector<16xi32>,
      %add3A_316 = arith.constant 96 : i32
      %add3A_317 = arith.addi %mul3A_213, %add3A_316 : i32
      %get3A_318 = arith.index_cast %add3A_317 : i32 to index
      %get3A_319 = tpu.vector_load %arg5[%get3A_318] {strides = array<i32>} : memref<3136xi32, #tpu.memory_space<vmem>>, vector<16xi32>,
      %get3A_320 = vector.shape_cast %get3A_319 : vector<16xi32> to vector<16xi32>
      %max3A_321 = arith.constant 0 : i32
      %max3A_322 = vector.broadcast %max3A_321 : i32 to vector<16xi32>
      %max3A_323 = arith.maxsi %get3A_320, %max3A_322 : vector<16xi32>
      %min3A_324 = arith.constant 511 : i32
      %min3A_325 = vector.broadcast %min3A_324 : i32 to vector<16xi32>
      %min3A_326 = arith.minsi %max3A_323, %min3A_325 : vector<16xi32>
      %add3A_327 = arith.constant 96 : i32
      %add3A_328 = arith.addi %mul3A_213, %add3A_327 : i32
      %swap3A_329 = arith.index_cast %add3A_328 : i32 to index
      %swap3A_330 = tpu.vector_load %arg5[%swap3A_329] {strides = array<i32>} : memref<3136xi32, #tpu.memory_space<vmem>>, vector<16xi32>,
      %swap3A_331 = vector.shape_cast %swap3A_330 : vector<16xi32> to vector<16xi32>
      %swap3A_332 = vector.shape_cast %min3A_326 : vector<16xi32> to vector<16xi32>
      tpu.vector_store %arg5[%swap3A_329], %swap3A_332 {strides = array<i32>} : memref<3136xi32, #tpu.memory_space<vmem>>, vector<16xi32>,
      %add3A_333 = arith.constant 112 : i32
      %add3A_334 = arith.addi %mul3A_213, %add3A_333 : i32
      %get3A_335 = arith.index_cast %add3A_334 : i32 to index
      %get3A_336 = tpu.vector_load %arg5[%get3A_335] {strides = array<i32>} : memref<3136xi32, #tpu.memory_space<vmem>>, vector<16xi32>,
      %get3A_337 = vector.shape_cast %get3A_336 : vector<16xi32> to vector<16xi32>
      %max3A_338 = arith.constant 0 : i32
      %max3A_339 = vector.broadcast %max3A_338 : i32 to vector<16xi32>
      %max3A_340 = arith.maxsi %get3A_337, %max3A_339 : vector<16xi32>
      %min3A_341 = arith.constant 511 : i32
      %min3A_342 = vector.broadcast %min3A_341 : i32 to vector<16xi32>
      %min3A_343 = arith.minsi %max3A_340, %min3A_342 : vector<16xi32>
      %add3A_344 = arith.constant 112 : i32
      %add3A_345 = arith.addi %mul3A_213, %add3A_344 : i32
      %swap3A_346 = arith.index_cast %add3A_345 : i32 to index
      %swap3A_347 = tpu.vector_load %arg5[%swap3A_346] {strides = array<i32>} : memref<3136xi32, #tpu.memory_space<vmem>>, vector<16xi32>,
      %swap3A_348 = vector.shape_cast %swap3A_347 : vector<16xi32> to vector<16xi32>
      %swap3A_349 = vector.shape_cast %min3A_343 : vector<16xi32> to vector<16xi32>
      tpu.vector_store %arg5[%swap3A_346], %swap3A_349 {strides = array<i32>} : memref<3136xi32, #tpu.memory_space<vmem>>, vector<16xi32>,
      %mul3A_350 = arith.constant 6 : i32
      %mul3A_351 = arith.muli %scan3A_51, %mul3A_350 : i32
      %add3A_352 = arith.constant 1 : i32
      %add3A_353 = arith.addi %mul3A_351, %add3A_352 : i32
      %mul3A_354 = arith.constant 128 : i32
      %mul3A_355 = arith.muli %add3A_353, %mul3A_354 : i32
      %dma_start3A_356 = arith.constant 128 : i32
      %dma_start3A_357 = arith.constant 0 : i32
      %dma_start3A_358 = tpu.memref_slice %arg6[%dma_start3A_356, %dma_start3A_357] : memref<824x128xf32, #tpu.memory_space<vmem>> -> memref<128x128xf32, #tpu.memory_space<vmem>>
      %dma_start3A_359 = tpu.memref_slice %arg5[%mul3A_355] : memref<3136xi32, #tpu.memory_space<vmem>> -> memref<128xi32, #tpu.memory_space<vmem>>
      %dma_start3A_360 = arith.constant 0 : i32
      %dma_start3A_361 = arith.constant 0 : i32
      %dma_start3A_362 = tpu.memref_slice %arg7[%dma_start3A_360, %dma_start3A_361] : memref<512x128xf32, #tpu.memory_space<vmem_shared>> -> memref<512x128xf32, #tpu.memory_space<vmem_shared>>
      tpu.enqueue_indirect_dma source(%dma_start3A_362 : memref<512x128xf32, #tpu.memory_space<vmem_shared>>) target(%dma_start3A_358 : memref<128x128xf32, #tpu.memory_space<vmem>>) offsets(%dma_start3A_359 : memref<128xi32, #tpu.memory_space<vmem>>) semaphore(%arg9 : memref<!tpu.dma_semaphore, #tpu.memory_space<semaphore_mem>>)
      %mul3A_363 = arith.constant 6 : i32
      %mul3A_364 = arith.muli %scan3A_51, %mul3A_363 : i32
      %add3A_365 = arith.constant 2 : i32
      %add3A_366 = arith.addi %mul3A_364, %add3A_365 : i32
      %mul3A_367 = arith.constant 128 : i32
      %mul3A_368 = arith.muli %add3A_366, %mul3A_367 : i32
      %add3A_369 = arith.constant 0 : i32
      %add3A_370 = arith.addi %mul3A_368, %add3A_369 : i32
      %get3A_371 = arith.index_cast %add3A_370 : i32 to index
      %get3A_372 = tpu.vector_load %arg5[%get3A_371] {strides = array<i32>} : memref<3136xi32, #tpu.memory_space<vmem>>, vector<16xi32>,
      %get3A_373 = vector.shape_cast %get3A_372 : vector<16xi32> to vector<16xi32>
      %max3A_374 = arith.constant 0 : i32
      %max3A_375 = vector.broadcast %max3A_374 : i32 to vector<16xi32>
      %max3A_376 = arith.maxsi %get3A_373, %max3A_375 : vector<16xi32>
      %min3A_377 = arith.constant 511 : i32
      %min3A_378 = vector.broadcast %min3A_377 : i32 to vector<16xi32>
      %min3A_379 = arith.minsi %max3A_376, %min3A_378 : vector<16xi32>
      %add3A_380 = arith.constant 0 : i32
      %add3A_381 = arith.addi %mul3A_368, %add3A_380 : i32
      %swap3A_382 = arith.index_cast %add3A_381 : i32 to index
      %swap3A_383 = tpu.vector_load %arg5[%swap3A_382] {strides = array<i32>} : memref<3136xi32, #tpu.memory_space<vmem>>, vector<16xi32>,
      %swap3A_384 = vector.shape_cast %swap3A_383 : vector<16xi32> to vector<16xi32>
      %swap3A_385 = vector.shape_cast %min3A_379 : vector<16xi32> to vector<16xi32>
      tpu.vector_store %arg5[%swap3A_382], %swap3A_385 {strides = array<i32>} : memref<3136xi32, #tpu.memory_space<vmem>>, vector<16xi32>,
      %add3A_386 = arith.constant 16 : i32
      %add3A_387 = arith.addi %mul3A_368, %add3A_386 : i32
      %get3A_388 = arith.index_cast %add3A_387 : i32 to index
      %get3A_389 = tpu.vector_load %arg5[%get3A_388] {strides = array<i32>} : memref<3136xi32, #tpu.memory_space<vmem>>, vector<16xi32>,
      %get3A_390 = vector.shape_cast %get3A_389 : vector<16xi32> to vector<16xi32>
      %max3A_391 = arith.constant 0 : i32
      %max3A_392 = vector.broadcast %max3A_391 : i32 to vector<16xi32>
      %max3A_393 = arith.maxsi %get3A_390, %max3A_392 : vector<16xi32>
      %min3A_394 = arith.constant 511 : i32
      %min3A_395 = vector.broadcast %min3A_394 : i32 to vector<16xi32>
      %min3A_396 = arith.minsi %max3A_393, %min3A_395 : vector<16xi32>
      %add3A_397 = arith.constant 16 : i32
      %add3A_398 = arith.addi %mul3A_368, %add3A_397 : i32
      %swap3A_399 = arith.index_cast %add3A_398 : i32 to index
      %swap3A_400 = tpu.vector_load %arg5[%swap3A_399] {strides = array<i32>} : memref<3136xi32, #tpu.memory_space<vmem>>, vector<16xi32>,
      %swap3A_401 = vector.shape_cast %swap3A_400 : vector<16xi32> to vector<16xi32>
      %swap3A_402 = vector.shape_cast %min3A_396 : vector<16xi32> to vector<16xi32>
      tpu.vector_store %arg5[%swap3A_399], %swap3A_402 {strides = array<i32>} : memref<3136xi32, #tpu.memory_space<vmem>>, vector<16xi32>,
      %add3A_403 = arith.constant 32 : i32
      %add3A_404 = arith.addi %mul3A_368, %add3A_403 : i32
      %get3A_405 = arith.index_cast %add3A_404 : i32 to index
      %get3A_406 = tpu.vector_load %arg5[%get3A_405] {strides = array<i32>} : memref<3136xi32, #tpu.memory_space<vmem>>, vector<16xi32>,
      %get3A_407 = vector.shape_cast %get3A_406 : vector<16xi32> to vector<16xi32>
      %max3A_408 = arith.constant 0 : i32
      %max3A_409 = vector.broadcast %max3A_408 : i32 to vector<16xi32>
      %max3A_410 = arith.maxsi %get3A_407, %max3A_409 : vector<16xi32>
      %min3A_411 = arith.constant 511 : i32
      %min3A_412 = vector.broadcast %min3A_411 : i32 to vector<16xi32>
      %min3A_413 = arith.minsi %max3A_410, %min3A_412 : vector<16xi32>
      %add3A_414 = arith.constant 32 : i32
      %add3A_415 = arith.addi %mul3A_368, %add3A_414 : i32
      %swap3A_416 = arith.index_cast %add3A_415 : i32 to index
      %swap3A_417 = tpu.vector_load %arg5[%swap3A_416] {strides = array<i32>} : memref<3136xi32, #tpu.memory_space<vmem>>, vector<16xi32>,
      %swap3A_418 = vector.shape_cast %swap3A_417 : vector<16xi32> to vector<16xi32>
      %swap3A_419 = vector.shape_cast %min3A_413 : vector<16xi32> to vector<16xi32>
      tpu.vector_store %arg5[%swap3A_416], %swap3A_419 {strides = array<i32>} : memref<3136xi32, #tpu.memory_space<vmem>>, vector<16xi32>,
      %add3A_420 = arith.constant 48 : i32
      %add3A_421 = arith.addi %mul3A_368, %add3A_420 : i32
      %get3A_422 = arith.index_cast %add3A_421 : i32 to index
      %get3A_423 = tpu.vector_load %arg5[%get3A_422] {strides = array<i32>} : memref<3136xi32, #tpu.memory_space<vmem>>, vector<16xi32>,
      %get3A_424 = vector.shape_cast %get3A_423 : vector<16xi32> to vector<16xi32>
      %max3A_425 = arith.constant 0 : i32
      %max3A_426 = vector.broadcast %max3A_425 : i32 to vector<16xi32>
      %max3A_427 = arith.maxsi %get3A_424, %max3A_426 : vector<16xi32>
      %min3A_428 = arith.constant 511 : i32
      %min3A_429 = vector.broadcast %min3A_428 : i32 to vector<16xi32>
      %min3A_430 = arith.minsi %max3A_427, %min3A_429 : vector<16xi32>
      %add3A_431 = arith.constant 48 : i32
      %add3A_432 = arith.addi %mul3A_368, %add3A_431 : i32
      %swap3A_433 = arith.index_cast %add3A_432 : i32 to index
      %swap3A_434 = tpu.vector_load %arg5[%swap3A_433] {strides = array<i32>} : memref<3136xi32, #tpu.memory_space<vmem>>, vector<16xi32>,
      %swap3A_435 = vector.shape_cast %swap3A_434 : vector<16xi32> to vector<16xi32>
      %swap3A_436 = vector.shape_cast %min3A_430 : vector<16xi32> to vector<16xi32>
      tpu.vector_store %arg5[%swap3A_433], %swap3A_436 {strides = array<i32>} : memref<3136xi32, #tpu.memory_space<vmem>>, vector<16xi32>,
      %add3A_437 = arith.constant 64 : i32
      %add3A_438 = arith.addi %mul3A_368, %add3A_437 : i32
      %get3A_439 = arith.index_cast %add3A_438 : i32 to index
      %get3A_440 = tpu.vector_load %arg5[%get3A_439] {strides = array<i32>} : memref<3136xi32, #tpu.memory_space<vmem>>, vector<16xi32>,
      %get3A_441 = vector.shape_cast %get3A_440 : vector<16xi32> to vector<16xi32>
      %max3A_442 = arith.constant 0 : i32
      %max3A_443 = vector.broadcast %max3A_442 : i32 to vector<16xi32>
      %max3A_444 = arith.maxsi %get3A_441, %max3A_443 : vector<16xi32>
      %min3A_445 = arith.constant 511 : i32
      %min3A_446 = vector.broadcast %min3A_445 : i32 to vector<16xi32>
      %min3A_447 = arith.minsi %max3A_444, %min3A_446 : vector<16xi32>
      %add3A_448 = arith.constant 64 : i32
      %add3A_449 = arith.addi %mul3A_368, %add3A_448 : i32
      %swap3A_450 = arith.index_cast %add3A_449 : i32 to index
      %swap3A_451 = tpu.vector_load %arg5[%swap3A_450] {strides = array<i32>} : memref<3136xi32, #tpu.memory_space<vmem>>, vector<16xi32>,
      %swap3A_452 = vector.shape_cast %swap3A_451 : vector<16xi32> to vector<16xi32>
      %swap3A_453 = vector.shape_cast %min3A_447 : vector<16xi32> to vector<16xi32>
      tpu.vector_store %arg5[%swap3A_450], %swap3A_453 {strides = array<i32>} : memref<3136xi32, #tpu.memory_space<vmem>>, vector<16xi32>,
      %add3A_454 = arith.constant 80 : i32
      %add3A_455 = arith.addi %mul3A_368, %add3A_454 : i32
      %get3A_456 = arith.index_cast %add3A_455 : i32 to index
      %get3A_457 = tpu.vector_load %arg5[%get3A_456] {strides = array<i32>} : memref<3136xi32, #tpu.memory_space<vmem>>, vector<16xi32>,
      %get3A_458 = vector.shape_cast %get3A_457 : vector<16xi32> to vector<16xi32>
      %max3A_459 = arith.constant 0 : i32
      %max3A_460 = vector.broadcast %max3A_459 : i32 to vector<16xi32>
      %max3A_461 = arith.maxsi %get3A_458, %max3A_460 : vector<16xi32>
      %min3A_462 = arith.constant 511 : i32
      %min3A_463 = vector.broadcast %min3A_462 : i32 to vector<16xi32>
      %min3A_464 = arith.minsi %max3A_461, %min3A_463 : vector<16xi32>
      %add3A_465 = arith.constant 80 : i32
      %add3A_466 = arith.addi %mul3A_368, %add3A_465 : i32
      %swap3A_467 = arith.index_cast %add3A_466 : i32 to index
      %swap3A_468 = tpu.vector_load %arg5[%swap3A_467] {strides = array<i32>} : memref<3136xi32, #tpu.memory_space<vmem>>, vector<16xi32>,
      %swap3A_469 = vector.shape_cast %swap3A_468 : vector<16xi32> to vector<16xi32>
      %swap3A_470 = vector.shape_cast %min3A_464 : vector<16xi32> to vector<16xi32>
      tpu.vector_store %arg5[%swap3A_467], %swap3A_470 {strides = array<i32>} : memref<3136xi32, #tpu.memory_space<vmem>>, vector<16xi32>,
      %add3A_471 = arith.constant 96 : i32
      %add3A_472 = arith.addi %mul3A_368, %add3A_471 : i32
      %get3A_473 = arith.index_cast %add3A_472 : i32 to index
      %get3A_474 = tpu.vector_load %arg5[%get3A_473] {strides = array<i32>} : memref<3136xi32, #tpu.memory_space<vmem>>, vector<16xi32>,
      %get3A_475 = vector.shape_cast %get3A_474 : vector<16xi32> to vector<16xi32>
      %max3A_476 = arith.constant 0 : i32
      %max3A_477 = vector.broadcast %max3A_476 : i32 to vector<16xi32>
      %max3A_478 = arith.maxsi %get3A_475, %max3A_477 : vector<16xi32>
      %min3A_479 = arith.constant 511 : i32
      %min3A_480 = vector.broadcast %min3A_479 : i32 to vector<16xi32>
      %min3A_481 = arith.minsi %max3A_478, %min3A_480 : vector<16xi32>
      %add3A_482 = arith.constant 96 : i32
      %add3A_483 = arith.addi %mul3A_368, %add3A_482 : i32
      %swap3A_484 = arith.index_cast %add3A_483 : i32 to index
      %swap3A_485 = tpu.vector_load %arg5[%swap3A_484] {strides = array<i32>} : memref<3136xi32, #tpu.memory_space<vmem>>, vector<16xi32>,
      %swap3A_486 = vector.shape_cast %swap3A_485 : vector<16xi32> to vector<16xi32>
      %swap3A_487 = vector.shape_cast %min3A_481 : vector<16xi32> to vector<16xi32>
      tpu.vector_store %arg5[%swap3A_484], %swap3A_487 {strides = array<i32>} : memref<3136xi32, #tpu.memory_space<vmem>>, vector<16xi32>,
      %add3A_488 = arith.constant 112 : i32
      %add3A_489 = arith.addi %mul3A_368, %add3A_488 : i32
      %get3A_490 = arith.index_cast %add3A_489 : i32 to index
      %get3A_491 = tpu.vector_load %arg5[%get3A_490] {strides = array<i32>} : memref<3136xi32, #tpu.memory_space<vmem>>, vector<16xi32>,
      %get3A_492 = vector.shape_cast %get3A_491 : vector<16xi32> to vector<16xi32>
      %max3A_493 = arith.constant 0 : i32
      %max3A_494 = vector.broadcast %max3A_493 : i32 to vector<16xi32>
      %max3A_495 = arith.maxsi %get3A_492, %max3A_494 : vector<16xi32>
      %min3A_496 = arith.constant 511 : i32
      %min3A_497 = vector.broadcast %min3A_496 : i32 to vector<16xi32>
      %min3A_498 = arith.minsi %max3A_495, %min3A_497 : vector<16xi32>
      %add3A_499 = arith.constant 112 : i32
      %add3A_500 = arith.addi %mul3A_368, %add3A_499 : i32
      %swap3A_501 = arith.index_cast %add3A_500 : i32 to index
      %swap3A_502 = tpu.vector_load %arg5[%swap3A_501] {strides = array<i32>} : memref<3136xi32, #tpu.memory_space<vmem>>, vector<16xi32>,
      %swap3A_503 = vector.shape_cast %swap3A_502 : vector<16xi32> to vector<16xi32>
      %swap3A_504 = vector.shape_cast %min3A_498 : vector<16xi32> to vector<16xi32>
      tpu.vector_store %arg5[%swap3A_501], %swap3A_504 {strides = array<i32>} : memref<3136xi32, #tpu.memory_space<vmem>>, vector<16xi32>,
      %gt3A_505 = arith.constant 0 : i32
      %gt3A_506 = arith.cmpi sgt, %scan3A_51, %gt3A_505 : i32
      %convert_element_type3A_507 = arith.extui %gt3A_506 : i1 to i32
      %cond3A_508 = arith.constant 0 : i32
      %cond3A_509 = arith.cmpi ne, %convert_element_type3A_507, %cond3A_508 : i32
      scf.if %cond3A_509 {
        %dma_wait3A_1099 = arith.constant 256 : i32
        %dma_wait3A_1100 = arith.constant 0 : i32
        %dma_wait3A_1101 = tpu.memref_slice %arg6[%dma_wait3A_1099, %dma_wait3A_1100] : memref<824x128xf32, #tpu.memory_space<vmem>> -> memref<256x128xf32, #tpu.memory_space<vmem>>
        %dma_wait3A_1102 = arith.constant 0 : i32
        %dma_wait3A_1103 = tpu.memref_slice %arg4[%mul3A_2, %dma_wait3A_1102] : memref<100000x128xf32, #tpu.memory_space<hbm>> -> memref<256x128xf32, #tpu.memory_space<hbm>>
        %dma_wait3A_1104 = arith.constant 0 : i32
        %dma_wait3A_1105 = tpu.memref_slice %arg4[%mul3A_2, %dma_wait3A_1104] : memref<100000x128xf32, #tpu.memory_space<hbm>> -> memref<256x128xf32, #tpu.memory_space<hbm>>
        %dma_wait3A_1106 = arith.constant 256 : i32
        %dma_wait3A_1107 = arith.constant 0 : i32
        %dma_wait3A_1108 = tpu.memref_slice %arg6[%dma_wait3A_1106, %dma_wait3A_1107] : memref<824x128xf32, #tpu.memory_space<vmem>> -> memref<256x128xf32, #tpu.memory_space<vmem>>
        tpu.wait_dma2 semaphore(%arg15 : memref<!tpu.dma_semaphore, #tpu.memory_space<semaphore_mem>>) src(%dma_wait3A_1108 : memref<256x128xf32, #tpu.memory_space<vmem>>) dst(%dma_wait3A_1105 : memref<256x128xf32, #tpu.memory_space<hbm>>)
      } else {
      }
      %mul3A_510 = arith.constant 6 : i32
      %mul3A_511 = arith.muli %scan3A_51, %mul3A_510 : i32
      %add3A_512 = arith.constant 2 : i32
      %add3A_513 = arith.addi %mul3A_511, %add3A_512 : i32
      %mul3A_514 = arith.constant 128 : i32
      %mul3A_515 = arith.muli %add3A_513, %mul3A_514 : i32
      %dma_start3A_516 = arith.constant 256 : i32
      %dma_start3A_517 = arith.constant 0 : i32
      %dma_start3A_518 = tpu.memref_slice %arg6[%dma_start3A_516, %dma_start3A_517] : memref<824x128xf32, #tpu.memory_space<vmem>> -> memref<128x128xf32, #tpu.memory_space<vmem>>
      %dma_start3A_519 = tpu.memref_slice %arg5[%mul3A_515] : memref<3136xi32, #tpu.memory_space<vmem>> -> memref<128xi32, #tpu.memory_space<vmem>>
      %dma_start3A_520 = arith.constant 0 : i32
      %dma_start3A_521 = arith.constant 0 : i32
      %dma_start3A_522 = tpu.memref_slice %arg7[%dma_start3A_520, %dma_start3A_521] : memref<512x128xf32, #tpu.memory_space<vmem_shared>> -> memref<512x128xf32, #tpu.memory_space<vmem_shared>>
      tpu.enqueue_indirect_dma source(%dma_start3A_522 : memref<512x128xf32, #tpu.memory_space<vmem_shared>>) target(%dma_start3A_518 : memref<128x128xf32, #tpu.memory_space<vmem>>) offsets(%dma_start3A_519 : memref<128xi32, #tpu.memory_space<vmem>>) semaphore(%arg10 : memref<!tpu.dma_semaphore, #tpu.memory_space<semaphore_mem>>)
      %mul3A_523 = arith.constant 6 : i32
      %mul3A_524 = arith.muli %scan3A_51, %mul3A_523 : i32
      %add3A_525 = arith.constant 3 : i32
      %add3A_526 = arith.addi %mul3A_524, %add3A_525 : i32
      %mul3A_527 = arith.constant 128 : i32
      %mul3A_528 = arith.muli %add3A_526, %mul3A_527 : i32
      %add3A_529 = arith.constant 0 : i32
      %add3A_530 = arith.addi %mul3A_528, %add3A_529 : i32
      %get3A_531 = arith.index_cast %add3A_530 : i32 to index
      %get3A_532 = tpu.vector_load %arg5[%get3A_531] {strides = array<i32>} : memref<3136xi32, #tpu.memory_space<vmem>>, vector<16xi32>,
      %get3A_533 = vector.shape_cast %get3A_532 : vector<16xi32> to vector<16xi32>
      %max3A_534 = arith.constant 0 : i32
      %max3A_535 = vector.broadcast %max3A_534 : i32 to vector<16xi32>
      %max3A_536 = arith.maxsi %get3A_533, %max3A_535 : vector<16xi32>
      %min3A_537 = arith.constant 511 : i32
      %min3A_538 = vector.broadcast %min3A_537 : i32 to vector<16xi32>
      %min3A_539 = arith.minsi %max3A_536, %min3A_538 : vector<16xi32>
      %add3A_540 = arith.constant 0 : i32
      %add3A_541 = arith.addi %mul3A_528, %add3A_540 : i32
      %swap3A_542 = arith.index_cast %add3A_541 : i32 to index
      %swap3A_543 = tpu.vector_load %arg5[%swap3A_542] {strides = array<i32>} : memref<3136xi32, #tpu.memory_space<vmem>>, vector<16xi32>,
      %swap3A_544 = vector.shape_cast %swap3A_543 : vector<16xi32> to vector<16xi32>
      %swap3A_545 = vector.shape_cast %min3A_539 : vector<16xi32> to vector<16xi32>
      tpu.vector_store %arg5[%swap3A_542], %swap3A_545 {strides = array<i32>} : memref<3136xi32, #tpu.memory_space<vmem>>, vector<16xi32>,
      %add3A_546 = arith.constant 16 : i32
      %add3A_547 = arith.addi %mul3A_528, %add3A_546 : i32
      %get3A_548 = arith.index_cast %add3A_547 : i32 to index
      %get3A_549 = tpu.vector_load %arg5[%get3A_548] {strides = array<i32>} : memref<3136xi32, #tpu.memory_space<vmem>>, vector<16xi32>,
      %get3A_550 = vector.shape_cast %get3A_549 : vector<16xi32> to vector<16xi32>
      %max3A_551 = arith.constant 0 : i32
      %max3A_552 = vector.broadcast %max3A_551 : i32 to vector<16xi32>
      %max3A_553 = arith.maxsi %get3A_550, %max3A_552 : vector<16xi32>
      %min3A_554 = arith.constant 511 : i32
      %min3A_555 = vector.broadcast %min3A_554 : i32 to vector<16xi32>
      %min3A_556 = arith.minsi %max3A_553, %min3A_555 : vector<16xi32>
      %add3A_557 = arith.constant 16 : i32
      %add3A_558 = arith.addi %mul3A_528, %add3A_557 : i32
      %swap3A_559 = arith.index_cast %add3A_558 : i32 to index
      %swap3A_560 = tpu.vector_load %arg5[%swap3A_559] {strides = array<i32>} : memref<3136xi32, #tpu.memory_space<vmem>>, vector<16xi32>,
      %swap3A_561 = vector.shape_cast %swap3A_560 : vector<16xi32> to vector<16xi32>
      %swap3A_562 = vector.shape_cast %min3A_556 : vector<16xi32> to vector<16xi32>
      tpu.vector_store %arg5[%swap3A_559], %swap3A_562 {strides = array<i32>} : memref<3136xi32, #tpu.memory_space<vmem>>, vector<16xi32>,
      %add3A_563 = arith.constant 32 : i32
      %add3A_564 = arith.addi %mul3A_528, %add3A_563 : i32
      %get3A_565 = arith.index_cast %add3A_564 : i32 to index
      %get3A_566 = tpu.vector_load %arg5[%get3A_565] {strides = array<i32>} : memref<3136xi32, #tpu.memory_space<vmem>>, vector<16xi32>,
      %get3A_567 = vector.shape_cast %get3A_566 : vector<16xi32> to vector<16xi32>
      %max3A_568 = arith.constant 0 : i32
      %max3A_569 = vector.broadcast %max3A_568 : i32 to vector<16xi32>
      %max3A_570 = arith.maxsi %get3A_567, %max3A_569 : vector<16xi32>
      %min3A_571 = arith.constant 511 : i32
      %min3A_572 = vector.broadcast %min3A_571 : i32 to vector<16xi32>
      %min3A_573 = arith.minsi %max3A_570, %min3A_572 : vector<16xi32>
      %add3A_574 = arith.constant 32 : i32
      %add3A_575 = arith.addi %mul3A_528, %add3A_574 : i32
      %swap3A_576 = arith.index_cast %add3A_575 : i32 to index
      %swap3A_577 = tpu.vector_load %arg5[%swap3A_576] {strides = array<i32>} : memref<3136xi32, #tpu.memory_space<vmem>>, vector<16xi32>,
      %swap3A_578 = vector.shape_cast %swap3A_577 : vector<16xi32> to vector<16xi32>
      %swap3A_579 = vector.shape_cast %min3A_573 : vector<16xi32> to vector<16xi32>
      tpu.vector_store %arg5[%swap3A_576], %swap3A_579 {strides = array<i32>} : memref<3136xi32, #tpu.memory_space<vmem>>, vector<16xi32>,
      %add3A_580 = arith.constant 48 : i32
      %add3A_581 = arith.addi %mul3A_528, %add3A_580 : i32
      %get3A_582 = arith.index_cast %add3A_581 : i32 to index
      %get3A_583 = tpu.vector_load %arg5[%get3A_582] {strides = array<i32>} : memref<3136xi32, #tpu.memory_space<vmem>>, vector<16xi32>,
      %get3A_584 = vector.shape_cast %get3A_583 : vector<16xi32> to vector<16xi32>
      %max3A_585 = arith.constant 0 : i32
      %max3A_586 = vector.broadcast %max3A_585 : i32 to vector<16xi32>
      %max3A_587 = arith.maxsi %get3A_584, %max3A_586 : vector<16xi32>
      %min3A_588 = arith.constant 511 : i32
      %min3A_589 = vector.broadcast %min3A_588 : i32 to vector<16xi32>
      %min3A_590 = arith.minsi %max3A_587, %min3A_589 : vector<16xi32>
      %add3A_591 = arith.constant 48 : i32
      %add3A_592 = arith.addi %mul3A_528, %add3A_591 : i32
      %swap3A_593 = arith.index_cast %add3A_592 : i32 to index
      %swap3A_594 = tpu.vector_load %arg5[%swap3A_593] {strides = array<i32>} : memref<3136xi32, #tpu.memory_space<vmem>>, vector<16xi32>,
      %swap3A_595 = vector.shape_cast %swap3A_594 : vector<16xi32> to vector<16xi32>
      %swap3A_596 = vector.shape_cast %min3A_590 : vector<16xi32> to vector<16xi32>
      tpu.vector_store %arg5[%swap3A_593], %swap3A_596 {strides = array<i32>} : memref<3136xi32, #tpu.memory_space<vmem>>, vector<16xi32>,
      %add3A_597 = arith.constant 64 : i32
      %add3A_598 = arith.addi %mul3A_528, %add3A_597 : i32
      %get3A_599 = arith.index_cast %add3A_598 : i32 to index
      %get3A_600 = tpu.vector_load %arg5[%get3A_599] {strides = array<i32>} : memref<3136xi32, #tpu.memory_space<vmem>>, vector<16xi32>,
      %get3A_601 = vector.shape_cast %get3A_600 : vector<16xi32> to vector<16xi32>
      %max3A_602 = arith.constant 0 : i32
      %max3A_603 = vector.broadcast %max3A_602 : i32 to vector<16xi32>
      %max3A_604 = arith.maxsi %get3A_601, %max3A_603 : vector<16xi32>
      %min3A_605 = arith.constant 511 : i32
      %min3A_606 = vector.broadcast %min3A_605 : i32 to vector<16xi32>
      %min3A_607 = arith.minsi %max3A_604, %min3A_606 : vector<16xi32>
      %add3A_608 = arith.constant 64 : i32
      %add3A_609 = arith.addi %mul3A_528, %add3A_608 : i32
      %swap3A_610 = arith.index_cast %add3A_609 : i32 to index
      %swap3A_611 = tpu.vector_load %arg5[%swap3A_610] {strides = array<i32>} : memref<3136xi32, #tpu.memory_space<vmem>>, vector<16xi32>,
      %swap3A_612 = vector.shape_cast %swap3A_611 : vector<16xi32> to vector<16xi32>
      %swap3A_613 = vector.shape_cast %min3A_607 : vector<16xi32> to vector<16xi32>
      tpu.vector_store %arg5[%swap3A_610], %swap3A_613 {strides = array<i32>} : memref<3136xi32, #tpu.memory_space<vmem>>, vector<16xi32>,
      %add3A_614 = arith.constant 80 : i32
      %add3A_615 = arith.addi %mul3A_528, %add3A_614 : i32
      %get3A_616 = arith.index_cast %add3A_615 : i32 to index
      %get3A_617 = tpu.vector_load %arg5[%get3A_616] {strides = array<i32>} : memref<3136xi32, #tpu.memory_space<vmem>>, vector<16xi32>,
      %get3A_618 = vector.shape_cast %get3A_617 : vector<16xi32> to vector<16xi32>
      %max3A_619 = arith.constant 0 : i32
      %max3A_620 = vector.broadcast %max3A_619 : i32 to vector<16xi32>
      %max3A_621 = arith.maxsi %get3A_618, %max3A_620 : vector<16xi32>
      %min3A_622 = arith.constant 511 : i32
      %min3A_623 = vector.broadcast %min3A_622 : i32 to vector<16xi32>
      %min3A_624 = arith.minsi %max3A_621, %min3A_623 : vector<16xi32>
      %add3A_625 = arith.constant 80 : i32
      %add3A_626 = arith.addi %mul3A_528, %add3A_625 : i32
      %swap3A_627 = arith.index_cast %add3A_626 : i32 to index
      %swap3A_628 = tpu.vector_load %arg5[%swap3A_627] {strides = array<i32>} : memref<3136xi32, #tpu.memory_space<vmem>>, vector<16xi32>,
      %swap3A_629 = vector.shape_cast %swap3A_628 : vector<16xi32> to vector<16xi32>
      %swap3A_630 = vector.shape_cast %min3A_624 : vector<16xi32> to vector<16xi32>
      tpu.vector_store %arg5[%swap3A_627], %swap3A_630 {strides = array<i32>} : memref<3136xi32, #tpu.memory_space<vmem>>, vector<16xi32>,
      %add3A_631 = arith.constant 96 : i32
      %add3A_632 = arith.addi %mul3A_528, %add3A_631 : i32
      %get3A_633 = arith.index_cast %add3A_632 : i32 to index
      %get3A_634 = tpu.vector_load %arg5[%get3A_633] {strides = array<i32>} : memref<3136xi32, #tpu.memory_space<vmem>>, vector<16xi32>,
      %get3A_635 = vector.shape_cast %get3A_634 : vector<16xi32> to vector<16xi32>
      %max3A_636 = arith.constant 0 : i32
      %max3A_637 = vector.broadcast %max3A_636 : i32 to vector<16xi32>
      %max3A_638 = arith.maxsi %get3A_635, %max3A_637 : vector<16xi32>
      %min3A_639 = arith.constant 511 : i32
      %min3A_640 = vector.broadcast %min3A_639 : i32 to vector<16xi32>
      %min3A_641 = arith.minsi %max3A_638, %min3A_640 : vector<16xi32>
      %add3A_642 = arith.constant 96 : i32
      %add3A_643 = arith.addi %mul3A_528, %add3A_642 : i32
      %swap3A_644 = arith.index_cast %add3A_643 : i32 to index
      %swap3A_645 = tpu.vector_load %arg5[%swap3A_644] {strides = array<i32>} : memref<3136xi32, #tpu.memory_space<vmem>>, vector<16xi32>,
      %swap3A_646 = vector.shape_cast %swap3A_645 : vector<16xi32> to vector<16xi32>
      %swap3A_647 = vector.shape_cast %min3A_641 : vector<16xi32> to vector<16xi32>
      tpu.vector_store %arg5[%swap3A_644], %swap3A_647 {strides = array<i32>} : memref<3136xi32, #tpu.memory_space<vmem>>, vector<16xi32>,
      %add3A_648 = arith.constant 112 : i32
      %add3A_649 = arith.addi %mul3A_528, %add3A_648 : i32
      %get3A_650 = arith.index_cast %add3A_649 : i32 to index
      %get3A_651 = tpu.vector_load %arg5[%get3A_650] {strides = array<i32>} : memref<3136xi32, #tpu.memory_space<vmem>>, vector<16xi32>,
      %get3A_652 = vector.shape_cast %get3A_651 : vector<16xi32> to vector<16xi32>
      %max3A_653 = arith.constant 0 : i32
      %max3A_654 = vector.broadcast %max3A_653 : i32 to vector<16xi32>
      %max3A_655 = arith.maxsi %get3A_652, %max3A_654 : vector<16xi32>
      %min3A_656 = arith.constant 511 : i32
      %min3A_657 = vector.broadcast %min3A_656 : i32 to vector<16xi32>
      %min3A_658 = arith.minsi %max3A_655, %min3A_657 : vector<16xi32>
      %add3A_659 = arith.constant 112 : i32
      %add3A_660 = arith.addi %mul3A_528, %add3A_659 : i32
      %swap3A_661 = arith.index_cast %add3A_660 : i32 to index
      %swap3A_662 = tpu.vector_load %arg5[%swap3A_661] {strides = array<i32>} : memref<3136xi32, #tpu.memory_space<vmem>>, vector<16xi32>,
      %swap3A_663 = vector.shape_cast %swap3A_662 : vector<16xi32> to vector<16xi32>
      %swap3A_664 = vector.shape_cast %min3A_658 : vector<16xi32> to vector<16xi32>
      tpu.vector_store %arg5[%swap3A_661], %swap3A_664 {strides = array<i32>} : memref<3136xi32, #tpu.memory_space<vmem>>, vector<16xi32>,
      %mul3A_665 = arith.constant 6 : i32
      %mul3A_666 = arith.muli %scan3A_51, %mul3A_665 : i32
      %add3A_667 = arith.constant 3 : i32
      %add3A_668 = arith.addi %mul3A_666, %add3A_667 : i32
      %mul3A_669 = arith.constant 128 : i32
      %mul3A_670 = arith.muli %add3A_668, %mul3A_669 : i32
      %dma_start3A_671 = arith.constant 384 : i32
      %dma_start3A_672 = arith.constant 0 : i32
      %dma_start3A_673 = tpu.memref_slice %arg6[%dma_start3A_671, %dma_start3A_672] : memref<824x128xf32, #tpu.memory_space<vmem>> -> memref<128x128xf32, #tpu.memory_space<vmem>>
      %dma_start3A_674 = tpu.memref_slice %arg5[%mul3A_670] : memref<3136xi32, #tpu.memory_space<vmem>> -> memref<128xi32, #tpu.memory_space<vmem>>
      %dma_start3A_675 = arith.constant 0 : i32
      %dma_start3A_676 = arith.constant 0 : i32
      %dma_start3A_677 = tpu.memref_slice %arg7[%dma_start3A_675, %dma_start3A_676] : memref<512x128xf32, #tpu.memory_space<vmem_shared>> -> memref<512x128xf32, #tpu.memory_space<vmem_shared>>
      tpu.enqueue_indirect_dma source(%dma_start3A_677 : memref<512x128xf32, #tpu.memory_space<vmem_shared>>) target(%dma_start3A_673 : memref<128x128xf32, #tpu.memory_space<vmem>>) offsets(%dma_start3A_674 : memref<128xi32, #tpu.memory_space<vmem>>) semaphore(%arg11 : memref<!tpu.dma_semaphore, #tpu.memory_space<semaphore_mem>>)
      %mul3A_678 = arith.constant 6 : i32
      %mul3A_679 = arith.muli %scan3A_51, %mul3A_678 : i32
      %add3A_680 = arith.constant 4 : i32
      %add3A_681 = arith.addi %mul3A_679, %add3A_680 : i32
      %mul3A_682 = arith.constant 128 : i32
      %mul3A_683 = arith.muli %add3A_681, %mul3A_682 : i32
      %add3A_684 = arith.constant 0 : i32
      %add3A_685 = arith.addi %mul3A_683, %add3A_684 : i32
      %get3A_686 = arith.index_cast %add3A_685 : i32 to index
      %get3A_687 = tpu.vector_load %arg5[%get3A_686] {strides = array<i32>} : memref<3136xi32, #tpu.memory_space<vmem>>, vector<16xi32>,
      %get3A_688 = vector.shape_cast %get3A_687 : vector<16xi32> to vector<16xi32>
      %max3A_689 = arith.constant 0 : i32
      %max3A_690 = vector.broadcast %max3A_689 : i32 to vector<16xi32>
      %max3A_691 = arith.maxsi %get3A_688, %max3A_690 : vector<16xi32>
      %min3A_692 = arith.constant 511 : i32
      %min3A_693 = vector.broadcast %min3A_692 : i32 to vector<16xi32>
      %min3A_694 = arith.minsi %max3A_691, %min3A_693 : vector<16xi32>
      %add3A_695 = arith.constant 0 : i32
      %add3A_696 = arith.addi %mul3A_683, %add3A_695 : i32
      %swap3A_697 = arith.index_cast %add3A_696 : i32 to index
      %swap3A_698 = tpu.vector_load %arg5[%swap3A_697] {strides = array<i32>} : memref<3136xi32, #tpu.memory_space<vmem>>, vector<16xi32>,
      %swap3A_699 = vector.shape_cast %swap3A_698 : vector<16xi32> to vector<16xi32>
      %swap3A_700 = vector.shape_cast %min3A_694 : vector<16xi32> to vector<16xi32>
      tpu.vector_store %arg5[%swap3A_697], %swap3A_700 {strides = array<i32>} : memref<3136xi32, #tpu.memory_space<vmem>>, vector<16xi32>,
      %add3A_701 = arith.constant 16 : i32
      %add3A_702 = arith.addi %mul3A_683, %add3A_701 : i32
      %get3A_703 = arith.index_cast %add3A_702 : i32 to index
      %get3A_704 = tpu.vector_load %arg5[%get3A_703] {strides = array<i32>} : memref<3136xi32, #tpu.memory_space<vmem>>, vector<16xi32>,
      %get3A_705 = vector.shape_cast %get3A_704 : vector<16xi32> to vector<16xi32>
      %max3A_706 = arith.constant 0 : i32
      %max3A_707 = vector.broadcast %max3A_706 : i32 to vector<16xi32>
      %max3A_708 = arith.maxsi %get3A_705, %max3A_707 : vector<16xi32>
      %min3A_709 = arith.constant 511 : i32
      %min3A_710 = vector.broadcast %min3A_709 : i32 to vector<16xi32>
      %min3A_711 = arith.minsi %max3A_708, %min3A_710 : vector<16xi32>
      %add3A_712 = arith.constant 16 : i32
      %add3A_713 = arith.addi %mul3A_683, %add3A_712 : i32
      %swap3A_714 = arith.index_cast %add3A_713 : i32 to index
      %swap3A_715 = tpu.vector_load %arg5[%swap3A_714] {strides = array<i32>} : memref<3136xi32, #tpu.memory_space<vmem>>, vector<16xi32>,
      %swap3A_716 = vector.shape_cast %swap3A_715 : vector<16xi32> to vector<16xi32>
      %swap3A_717 = vector.shape_cast %min3A_711 : vector<16xi32> to vector<16xi32>
      tpu.vector_store %arg5[%swap3A_714], %swap3A_717 {strides = array<i32>} : memref<3136xi32, #tpu.memory_space<vmem>>, vector<16xi32>,
      %add3A_718 = arith.constant 32 : i32
      %add3A_719 = arith.addi %mul3A_683, %add3A_718 : i32
      %get3A_720 = arith.index_cast %add3A_719 : i32 to index
      %get3A_721 = tpu.vector_load %arg5[%get3A_720] {strides = array<i32>} : memref<3136xi32, #tpu.memory_space<vmem>>, vector<16xi32>,
      %get3A_722 = vector.shape_cast %get3A_721 : vector<16xi32> to vector<16xi32>
      %max3A_723 = arith.constant 0 : i32
      %max3A_724 = vector.broadcast %max3A_723 : i32 to vector<16xi32>
      %max3A_725 = arith.maxsi %get3A_722, %max3A_724 : vector<16xi32>
      %min3A_726 = arith.constant 511 : i32
      %min3A_727 = vector.broadcast %min3A_726 : i32 to vector<16xi32>
      %min3A_728 = arith.minsi %max3A_725, %min3A_727 : vector<16xi32>
      %add3A_729 = arith.constant 32 : i32
      %add3A_730 = arith.addi %mul3A_683, %add3A_729 : i32
      %swap3A_731 = arith.index_cast %add3A_730 : i32 to index
      %swap3A_732 = tpu.vector_load %arg5[%swap3A_731] {strides = array<i32>} : memref<3136xi32, #tpu.memory_space<vmem>>, vector<16xi32>,
      %swap3A_733 = vector.shape_cast %swap3A_732 : vector<16xi32> to vector<16xi32>
      %swap3A_734 = vector.shape_cast %min3A_728 : vector<16xi32> to vector<16xi32>
      tpu.vector_store %arg5[%swap3A_731], %swap3A_734 {strides = array<i32>} : memref<3136xi32, #tpu.memory_space<vmem>>, vector<16xi32>,
      %add3A_735 = arith.constant 48 : i32
      %add3A_736 = arith.addi %mul3A_683, %add3A_735 : i32
      %get3A_737 = arith.index_cast %add3A_736 : i32 to index
      %get3A_738 = tpu.vector_load %arg5[%get3A_737] {strides = array<i32>} : memref<3136xi32, #tpu.memory_space<vmem>>, vector<16xi32>,
      %get3A_739 = vector.shape_cast %get3A_738 : vector<16xi32> to vector<16xi32>
      %max3A_740 = arith.constant 0 : i32
      %max3A_741 = vector.broadcast %max3A_740 : i32 to vector<16xi32>
      %max3A_742 = arith.maxsi %get3A_739, %max3A_741 : vector<16xi32>
      %min3A_743 = arith.constant 511 : i32
      %min3A_744 = vector.broadcast %min3A_743 : i32 to vector<16xi32>
      %min3A_745 = arith.minsi %max3A_742, %min3A_744 : vector<16xi32>
      %add3A_746 = arith.constant 48 : i32
      %add3A_747 = arith.addi %mul3A_683, %add3A_746 : i32
      %swap3A_748 = arith.index_cast %add3A_747 : i32 to index
      %swap3A_749 = tpu.vector_load %arg5[%swap3A_748] {strides = array<i32>} : memref<3136xi32, #tpu.memory_space<vmem>>, vector<16xi32>,
      %swap3A_750 = vector.shape_cast %swap3A_749 : vector<16xi32> to vector<16xi32>
      %swap3A_751 = vector.shape_cast %min3A_745 : vector<16xi32> to vector<16xi32>
      tpu.vector_store %arg5[%swap3A_748], %swap3A_751 {strides = array<i32>} : memref<3136xi32, #tpu.memory_space<vmem>>, vector<16xi32>,
      %add3A_752 = arith.constant 64 : i32
      %add3A_753 = arith.addi %mul3A_683, %add3A_752 : i32
      %get3A_754 = arith.index_cast %add3A_753 : i32 to index
      %get3A_755 = tpu.vector_load %arg5[%get3A_754] {strides = array<i32>} : memref<3136xi32, #tpu.memory_space<vmem>>, vector<16xi32>,
      %get3A_756 = vector.shape_cast %get3A_755 : vector<16xi32> to vector<16xi32>
      %max3A_757 = arith.constant 0 : i32
      %max3A_758 = vector.broadcast %max3A_757 : i32 to vector<16xi32>
      %max3A_759 = arith.maxsi %get3A_756, %max3A_758 : vector<16xi32>
      %min3A_760 = arith.constant 511 : i32
      %min3A_761 = vector.broadcast %min3A_760 : i32 to vector<16xi32>
      %min3A_762 = arith.minsi %max3A_759, %min3A_761 : vector<16xi32>
      %add3A_763 = arith.constant 64 : i32
      %add3A_764 = arith.addi %mul3A_683, %add3A_763 : i32
      %swap3A_765 = arith.index_cast %add3A_764 : i32 to index
      %swap3A_766 = tpu.vector_load %arg5[%swap3A_765] {strides = array<i32>} : memref<3136xi32, #tpu.memory_space<vmem>>, vector<16xi32>,
      %swap3A_767 = vector.shape_cast %swap3A_766 : vector<16xi32> to vector<16xi32>
      %swap3A_768 = vector.shape_cast %min3A_762 : vector<16xi32> to vector<16xi32>
      tpu.vector_store %arg5[%swap3A_765], %swap3A_768 {strides = array<i32>} : memref<3136xi32, #tpu.memory_space<vmem>>, vector<16xi32>,
      %add3A_769 = arith.constant 80 : i32
      %add3A_770 = arith.addi %mul3A_683, %add3A_769 : i32
      %get3A_771 = arith.index_cast %add3A_770 : i32 to index
      %get3A_772 = tpu.vector_load %arg5[%get3A_771] {strides = array<i32>} : memref<3136xi32, #tpu.memory_space<vmem>>, vector<16xi32>,
      %get3A_773 = vector.shape_cast %get3A_772 : vector<16xi32> to vector<16xi32>
      %max3A_774 = arith.constant 0 : i32
      %max3A_775 = vector.broadcast %max3A_774 : i32 to vector<16xi32>
      %max3A_776 = arith.maxsi %get3A_773, %max3A_775 : vector<16xi32>
      %min3A_777 = arith.constant 511 : i32
      %min3A_778 = vector.broadcast %min3A_777 : i32 to vector<16xi32>
      %min3A_779 = arith.minsi %max3A_776, %min3A_778 : vector<16xi32>
      %add3A_780 = arith.constant 80 : i32
      %add3A_781 = arith.addi %mul3A_683, %add3A_780 : i32
      %swap3A_782 = arith.index_cast %add3A_781 : i32 to index
      %swap3A_783 = tpu.vector_load %arg5[%swap3A_782] {strides = array<i32>} : memref<3136xi32, #tpu.memory_space<vmem>>, vector<16xi32>,
      %swap3A_784 = vector.shape_cast %swap3A_783 : vector<16xi32> to vector<16xi32>
      %swap3A_785 = vector.shape_cast %min3A_779 : vector<16xi32> to vector<16xi32>
      tpu.vector_store %arg5[%swap3A_782], %swap3A_785 {strides = array<i32>} : memref<3136xi32, #tpu.memory_space<vmem>>, vector<16xi32>,
      %add3A_786 = arith.constant 96 : i32
      %add3A_787 = arith.addi %mul3A_683, %add3A_786 : i32
      %get3A_788 = arith.index_cast %add3A_787 : i32 to index
      %get3A_789 = tpu.vector_load %arg5[%get3A_788] {strides = array<i32>} : memref<3136xi32, #tpu.memory_space<vmem>>, vector<16xi32>,
      %get3A_790 = vector.shape_cast %get3A_789 : vector<16xi32> to vector<16xi32>
      %max3A_791 = arith.constant 0 : i32
      %max3A_792 = vector.broadcast %max3A_791 : i32 to vector<16xi32>
      %max3A_793 = arith.maxsi %get3A_790, %max3A_792 : vector<16xi32>
      %min3A_794 = arith.constant 511 : i32
      %min3A_795 = vector.broadcast %min3A_794 : i32 to vector<16xi32>
      %min3A_796 = arith.minsi %max3A_793, %min3A_795 : vector<16xi32>
      %add3A_797 = arith.constant 96 : i32
      %add3A_798 = arith.addi %mul3A_683, %add3A_797 : i32
      %swap3A_799 = arith.index_cast %add3A_798 : i32 to index
      %swap3A_800 = tpu.vector_load %arg5[%swap3A_799] {strides = array<i32>} : memref<3136xi32, #tpu.memory_space<vmem>>, vector<16xi32>,
      %swap3A_801 = vector.shape_cast %swap3A_800 : vector<16xi32> to vector<16xi32>
      %swap3A_802 = vector.shape_cast %min3A_796 : vector<16xi32> to vector<16xi32>
      tpu.vector_store %arg5[%swap3A_799], %swap3A_802 {strides = array<i32>} : memref<3136xi32, #tpu.memory_space<vmem>>, vector<16xi32>,
      %add3A_803 = arith.constant 112 : i32
      %add3A_804 = arith.addi %mul3A_683, %add3A_803 : i32
      %get3A_805 = arith.index_cast %add3A_804 : i32 to index
      %get3A_806 = tpu.vector_load %arg5[%get3A_805] {strides = array<i32>} : memref<3136xi32, #tpu.memory_space<vmem>>, vector<16xi32>,
      %get3A_807 = vector.shape_cast %get3A_806 : vector<16xi32> to vector<16xi32>
      %max3A_808 = arith.constant 0 : i32
      %max3A_809 = vector.broadcast %max3A_808 : i32 to vector<16xi32>
      %max3A_810 = arith.maxsi %get3A_807, %max3A_809 : vector<16xi32>
      %min3A_811 = arith.constant 511 : i32
      %min3A_812 = vector.broadcast %min3A_811 : i32 to vector<16xi32>
      %min3A_813 = arith.minsi %max3A_810, %min3A_812 : vector<16xi32>
      %add3A_814 = arith.constant 112 : i32
      %add3A_815 = arith.addi %mul3A_683, %add3A_814 : i32
      %swap3A_816 = arith.index_cast %add3A_815 : i32 to index
      %swap3A_817 = tpu.vector_load %arg5[%swap3A_816] {strides = array<i32>} : memref<3136xi32, #tpu.memory_space<vmem>>, vector<16xi32>,
      %swap3A_818 = vector.shape_cast %swap3A_817 : vector<16xi32> to vector<16xi32>
      %swap3A_819 = vector.shape_cast %min3A_813 : vector<16xi32> to vector<16xi32>
      tpu.vector_store %arg5[%swap3A_816], %swap3A_819 {strides = array<i32>} : memref<3136xi32, #tpu.memory_space<vmem>>, vector<16xi32>,
      %gt3A_820 = arith.constant 0 : i32
      %gt3A_821 = arith.cmpi sgt, %scan3A_51, %gt3A_820 : i32
      %convert_element_type3A_822 = arith.extui %gt3A_821 : i1 to i32
      %cond3A_823 = arith.constant 0 : i32
      %cond3A_824 = arith.cmpi ne, %convert_element_type3A_822, %cond3A_823 : i32
      scf.if %cond3A_824 {
        %dma_wait3A_1099 = arith.constant 512 : i32
        %dma_wait3A_1100 = arith.constant 0 : i32
        %dma_wait3A_1101 = tpu.memref_slice %arg6[%dma_wait3A_1099, %dma_wait3A_1100] : memref<824x128xf32, #tpu.memory_space<vmem>> -> memref<256x128xf32, #tpu.memory_space<vmem>>
        %dma_wait3A_1102 = arith.constant 0 : i32
        %dma_wait3A_1103 = tpu.memref_slice %arg4[%mul3A_2, %dma_wait3A_1102] : memref<100000x128xf32, #tpu.memory_space<hbm>> -> memref<256x128xf32, #tpu.memory_space<hbm>>
        %dma_wait3A_1104 = arith.constant 0 : i32
        %dma_wait3A_1105 = tpu.memref_slice %arg4[%mul3A_2, %dma_wait3A_1104] : memref<100000x128xf32, #tpu.memory_space<hbm>> -> memref<256x128xf32, #tpu.memory_space<hbm>>
        %dma_wait3A_1106 = arith.constant 512 : i32
        %dma_wait3A_1107 = arith.constant 0 : i32
        %dma_wait3A_1108 = tpu.memref_slice %arg6[%dma_wait3A_1106, %dma_wait3A_1107] : memref<824x128xf32, #tpu.memory_space<vmem>> -> memref<256x128xf32, #tpu.memory_space<vmem>>
        tpu.wait_dma2 semaphore(%arg16 : memref<!tpu.dma_semaphore, #tpu.memory_space<semaphore_mem>>) src(%dma_wait3A_1108 : memref<256x128xf32, #tpu.memory_space<vmem>>) dst(%dma_wait3A_1105 : memref<256x128xf32, #tpu.memory_space<hbm>>)
      } else {
      }
      %mul3A_825 = arith.constant 6 : i32
      %mul3A_826 = arith.muli %scan3A_51, %mul3A_825 : i32
      %add3A_827 = arith.constant 4 : i32
      %add3A_828 = arith.addi %mul3A_826, %add3A_827 : i32
      %mul3A_829 = arith.constant 128 : i32
      %mul3A_830 = arith.muli %add3A_828, %mul3A_829 : i32
      %dma_start3A_831 = arith.constant 512 : i32
      %dma_start3A_832 = arith.constant 0 : i32
      %dma_start3A_833 = tpu.memref_slice %arg6[%dma_start3A_831, %dma_start3A_832] : memref<824x128xf32, #tpu.memory_space<vmem>> -> memref<128x128xf32, #tpu.memory_space<vmem>>
      %dma_start3A_834 = tpu.memref_slice %arg5[%mul3A_830] : memref<3136xi32, #tpu.memory_space<vmem>> -> memref<128xi32, #tpu.memory_space<vmem>>
      %dma_start3A_835 = arith.constant 0 : i32
      %dma_start3A_836 = arith.constant 0 : i32
      %dma_start3A_837 = tpu.memref_slice %arg7[%dma_start3A_835, %dma_start3A_836] : memref<512x128xf32, #tpu.memory_space<vmem_shared>> -> memref<512x128xf32, #tpu.memory_space<vmem_shared>>
      tpu.enqueue_indirect_dma source(%dma_start3A_837 : memref<512x128xf32, #tpu.memory_space<vmem_shared>>) target(%dma_start3A_833 : memref<128x128xf32, #tpu.memory_space<vmem>>) offsets(%dma_start3A_834 : memref<128xi32, #tpu.memory_space<vmem>>) semaphore(%arg12 : memref<!tpu.dma_semaphore, #tpu.memory_space<semaphore_mem>>)
      %mul3A_838 = arith.constant 6 : i32
      %mul3A_839 = arith.muli %scan3A_51, %mul3A_838 : i32
      %add3A_840 = arith.constant 5 : i32
      %add3A_841 = arith.addi %mul3A_839, %add3A_840 : i32
      %mul3A_842 = arith.constant 128 : i32
      %mul3A_843 = arith.muli %add3A_841, %mul3A_842 : i32
      %add3A_844 = arith.constant 0 : i32
      %add3A_845 = arith.addi %mul3A_843, %add3A_844 : i32
      %get3A_846 = arith.index_cast %add3A_845 : i32 to index
      %get3A_847 = tpu.vector_load %arg5[%get3A_846] {strides = array<i32>} : memref<3136xi32, #tpu.memory_space<vmem>>, vector<16xi32>,
      %get3A_848 = vector.shape_cast %get3A_847 : vector<16xi32> to vector<16xi32>
      %max3A_849 = arith.constant 0 : i32
      %max3A_850 = vector.broadcast %max3A_849 : i32 to vector<16xi32>
      %max3A_851 = arith.maxsi %get3A_848, %max3A_850 : vector<16xi32>
      %min3A_852 = arith.constant 511 : i32
      %min3A_853 = vector.broadcast %min3A_852 : i32 to vector<16xi32>
      %min3A_854 = arith.minsi %max3A_851, %min3A_853 : vector<16xi32>
      %add3A_855 = arith.constant 0 : i32
      %add3A_856 = arith.addi %mul3A_843, %add3A_855 : i32
      %swap3A_857 = arith.index_cast %add3A_856 : i32 to index
      %swap3A_858 = tpu.vector_load %arg5[%swap3A_857] {strides = array<i32>} : memref<3136xi32, #tpu.memory_space<vmem>>, vector<16xi32>,
      %swap3A_859 = vector.shape_cast %swap3A_858 : vector<16xi32> to vector<16xi32>
      %swap3A_860 = vector.shape_cast %min3A_854 : vector<16xi32> to vector<16xi32>
      tpu.vector_store %arg5[%swap3A_857], %swap3A_860 {strides = array<i32>} : memref<3136xi32, #tpu.memory_space<vmem>>, vector<16xi32>,
      %add3A_861 = arith.constant 16 : i32
      %add3A_862 = arith.addi %mul3A_843, %add3A_861 : i32
      %get3A_863 = arith.index_cast %add3A_862 : i32 to index
      %get3A_864 = tpu.vector_load %arg5[%get3A_863] {strides = array<i32>} : memref<3136xi32, #tpu.memory_space<vmem>>, vector<16xi32>,
      %get3A_865 = vector.shape_cast %get3A_864 : vector<16xi32> to vector<16xi32>
      %max3A_866 = arith.constant 0 : i32
      %max3A_867 = vector.broadcast %max3A_866 : i32 to vector<16xi32>
      %max3A_868 = arith.maxsi %get3A_865, %max3A_867 : vector<16xi32>
      %min3A_869 = arith.constant 511 : i32
      %min3A_870 = vector.broadcast %min3A_869 : i32 to vector<16xi32>
      %min3A_871 = arith.minsi %max3A_868, %min3A_870 : vector<16xi32>
      %add3A_872 = arith.constant 16 : i32
      %add3A_873 = arith.addi %mul3A_843, %add3A_872 : i32
      %swap3A_874 = arith.index_cast %add3A_873 : i32 to index
      %swap3A_875 = tpu.vector_load %arg5[%swap3A_874] {strides = array<i32>} : memref<3136xi32, #tpu.memory_space<vmem>>, vector<16xi32>,
      %swap3A_876 = vector.shape_cast %swap3A_875 : vector<16xi32> to vector<16xi32>
      %swap3A_877 = vector.shape_cast %min3A_871 : vector<16xi32> to vector<16xi32>
      tpu.vector_store %arg5[%swap3A_874], %swap3A_877 {strides = array<i32>} : memref<3136xi32, #tpu.memory_space<vmem>>, vector<16xi32>,
      %add3A_878 = arith.constant 32 : i32
      %add3A_879 = arith.addi %mul3A_843, %add3A_878 : i32
      %get3A_880 = arith.index_cast %add3A_879 : i32 to index
      %get3A_881 = tpu.vector_load %arg5[%get3A_880] {strides = array<i32>} : memref<3136xi32, #tpu.memory_space<vmem>>, vector<16xi32>,
      %get3A_882 = vector.shape_cast %get3A_881 : vector<16xi32> to vector<16xi32>
      %max3A_883 = arith.constant 0 : i32
      %max3A_884 = vector.broadcast %max3A_883 : i32 to vector<16xi32>
      %max3A_885 = arith.maxsi %get3A_882, %max3A_884 : vector<16xi32>
      %min3A_886 = arith.constant 511 : i32
      %min3A_887 = vector.broadcast %min3A_886 : i32 to vector<16xi32>
      %min3A_888 = arith.minsi %max3A_885, %min3A_887 : vector<16xi32>
      %add3A_889 = arith.constant 32 : i32
      %add3A_890 = arith.addi %mul3A_843, %add3A_889 : i32
      %swap3A_891 = arith.index_cast %add3A_890 : i32 to index
      %swap3A_892 = tpu.vector_load %arg5[%swap3A_891] {strides = array<i32>} : memref<3136xi32, #tpu.memory_space<vmem>>, vector<16xi32>,
      %swap3A_893 = vector.shape_cast %swap3A_892 : vector<16xi32> to vector<16xi32>
      %swap3A_894 = vector.shape_cast %min3A_888 : vector<16xi32> to vector<16xi32>
      tpu.vector_store %arg5[%swap3A_891], %swap3A_894 {strides = array<i32>} : memref<3136xi32, #tpu.memory_space<vmem>>, vector<16xi32>,
      %add3A_895 = arith.constant 48 : i32
      %add3A_896 = arith.addi %mul3A_843, %add3A_895 : i32
      %get3A_897 = arith.index_cast %add3A_896 : i32 to index
      %get3A_898 = tpu.vector_load %arg5[%get3A_897] {strides = array<i32>} : memref<3136xi32, #tpu.memory_space<vmem>>, vector<16xi32>,
      %get3A_899 = vector.shape_cast %get3A_898 : vector<16xi32> to vector<16xi32>
      %max3A_900 = arith.constant 0 : i32
      %max3A_901 = vector.broadcast %max3A_900 : i32 to vector<16xi32>
      %max3A_902 = arith.maxsi %get3A_899, %max3A_901 : vector<16xi32>
      %min3A_903 = arith.constant 511 : i32
      %min3A_904 = vector.broadcast %min3A_903 : i32 to vector<16xi32>
      %min3A_905 = arith.minsi %max3A_902, %min3A_904 : vector<16xi32>
      %add3A_906 = arith.constant 48 : i32
      %add3A_907 = arith.addi %mul3A_843, %add3A_906 : i32
      %swap3A_908 = arith.index_cast %add3A_907 : i32 to index
      %swap3A_909 = tpu.vector_load %arg5[%swap3A_908] {strides = array<i32>} : memref<3136xi32, #tpu.memory_space<vmem>>, vector<16xi32>,
      %swap3A_910 = vector.shape_cast %swap3A_909 : vector<16xi32> to vector<16xi32>
      %swap3A_911 = vector.shape_cast %min3A_905 : vector<16xi32> to vector<16xi32>
      tpu.vector_store %arg5[%swap3A_908], %swap3A_911 {strides = array<i32>} : memref<3136xi32, #tpu.memory_space<vmem>>, vector<16xi32>,
      %add3A_912 = arith.constant 64 : i32
      %add3A_913 = arith.addi %mul3A_843, %add3A_912 : i32
      %get3A_914 = arith.index_cast %add3A_913 : i32 to index
      %get3A_915 = tpu.vector_load %arg5[%get3A_914] {strides = array<i32>} : memref<3136xi32, #tpu.memory_space<vmem>>, vector<16xi32>,
      %get3A_916 = vector.shape_cast %get3A_915 : vector<16xi32> to vector<16xi32>
      %max3A_917 = arith.constant 0 : i32
      %max3A_918 = vector.broadcast %max3A_917 : i32 to vector<16xi32>
      %max3A_919 = arith.maxsi %get3A_916, %max3A_918 : vector<16xi32>
      %min3A_920 = arith.constant 511 : i32
      %min3A_921 = vector.broadcast %min3A_920 : i32 to vector<16xi32>
      %min3A_922 = arith.minsi %max3A_919, %min3A_921 : vector<16xi32>
      %add3A_923 = arith.constant 64 : i32
      %add3A_924 = arith.addi %mul3A_843, %add3A_923 : i32
      %swap3A_925 = arith.index_cast %add3A_924 : i32 to index
      %swap3A_926 = tpu.vector_load %arg5[%swap3A_925] {strides = array<i32>} : memref<3136xi32, #tpu.memory_space<vmem>>, vector<16xi32>,
      %swap3A_927 = vector.shape_cast %swap3A_926 : vector<16xi32> to vector<16xi32>
      %swap3A_928 = vector.shape_cast %min3A_922 : vector<16xi32> to vector<16xi32>
      tpu.vector_store %arg5[%swap3A_925], %swap3A_928 {strides = array<i32>} : memref<3136xi32, #tpu.memory_space<vmem>>, vector<16xi32>,
      %add3A_929 = arith.constant 80 : i32
      %add3A_930 = arith.addi %mul3A_843, %add3A_929 : i32
      %get3A_931 = arith.index_cast %add3A_930 : i32 to index
      %get3A_932 = tpu.vector_load %arg5[%get3A_931] {strides = array<i32>} : memref<3136xi32, #tpu.memory_space<vmem>>, vector<16xi32>,
      %get3A_933 = vector.shape_cast %get3A_932 : vector<16xi32> to vector<16xi32>
      %max3A_934 = arith.constant 0 : i32
      %max3A_935 = vector.broadcast %max3A_934 : i32 to vector<16xi32>
      %max3A_936 = arith.maxsi %get3A_933, %max3A_935 : vector<16xi32>
      %min3A_937 = arith.constant 511 : i32
      %min3A_938 = vector.broadcast %min3A_937 : i32 to vector<16xi32>
      %min3A_939 = arith.minsi %max3A_936, %min3A_938 : vector<16xi32>
      %add3A_940 = arith.constant 80 : i32
      %add3A_941 = arith.addi %mul3A_843, %add3A_940 : i32
      %swap3A_942 = arith.index_cast %add3A_941 : i32 to index
      %swap3A_943 = tpu.vector_load %arg5[%swap3A_942] {strides = array<i32>} : memref<3136xi32, #tpu.memory_space<vmem>>, vector<16xi32>,
      %swap3A_944 = vector.shape_cast %swap3A_943 : vector<16xi32> to vector<16xi32>
      %swap3A_945 = vector.shape_cast %min3A_939 : vector<16xi32> to vector<16xi32>
      tpu.vector_store %arg5[%swap3A_942], %swap3A_945 {strides = array<i32>} : memref<3136xi32, #tpu.memory_space<vmem>>, vector<16xi32>,
      %add3A_946 = arith.constant 96 : i32
      %add3A_947 = arith.addi %mul3A_843, %add3A_946 : i32
      %get3A_948 = arith.index_cast %add3A_947 : i32 to index
      %get3A_949 = tpu.vector_load %arg5[%get3A_948] {strides = array<i32>} : memref<3136xi32, #tpu.memory_space<vmem>>, vector<16xi32>,
      %get3A_950 = vector.shape_cast %get3A_949 : vector<16xi32> to vector<16xi32>
      %max3A_951 = arith.constant 0 : i32
      %max3A_952 = vector.broadcast %max3A_951 : i32 to vector<16xi32>
      %max3A_953 = arith.maxsi %get3A_950, %max3A_952 : vector<16xi32>
      %min3A_954 = arith.constant 511 : i32
      %min3A_955 = vector.broadcast %min3A_954 : i32 to vector<16xi32>
      %min3A_956 = arith.minsi %max3A_953, %min3A_955 : vector<16xi32>
      %add3A_957 = arith.constant 96 : i32
      %add3A_958 = arith.addi %mul3A_843, %add3A_957 : i32
      %swap3A_959 = arith.index_cast %add3A_958 : i32 to index
      %swap3A_960 = tpu.vector_load %arg5[%swap3A_959] {strides = array<i32>} : memref<3136xi32, #tpu.memory_space<vmem>>, vector<16xi32>,
      %swap3A_961 = vector.shape_cast %swap3A_960 : vector<16xi32> to vector<16xi32>
      %swap3A_962 = vector.shape_cast %min3A_956 : vector<16xi32> to vector<16xi32>
      tpu.vector_store %arg5[%swap3A_959], %swap3A_962 {strides = array<i32>} : memref<3136xi32, #tpu.memory_space<vmem>>, vector<16xi32>,
      %add3A_963 = arith.constant 112 : i32
      %add3A_964 = arith.addi %mul3A_843, %add3A_963 : i32
      %get3A_965 = arith.index_cast %add3A_964 : i32 to index
      %get3A_966 = tpu.vector_load %arg5[%get3A_965] {strides = array<i32>} : memref<3136xi32, #tpu.memory_space<vmem>>, vector<16xi32>,
      %get3A_967 = vector.shape_cast %get3A_966 : vector<16xi32> to vector<16xi32>
      %max3A_968 = arith.constant 0 : i32
      %max3A_969 = vector.broadcast %max3A_968 : i32 to vector<16xi32>
      %max3A_970 = arith.maxsi %get3A_967, %max3A_969 : vector<16xi32>
      %min3A_971 = arith.constant 511 : i32
      %min3A_972 = vector.broadcast %min3A_971 : i32 to vector<16xi32>
      %min3A_973 = arith.minsi %max3A_970, %min3A_972 : vector<16xi32>
      %add3A_974 = arith.constant 112 : i32
      %add3A_975 = arith.addi %mul3A_843, %add3A_974 : i32
      %swap3A_976 = arith.index_cast %add3A_975 : i32 to index
      %swap3A_977 = tpu.vector_load %arg5[%swap3A_976] {strides = array<i32>} : memref<3136xi32, #tpu.memory_space<vmem>>, vector<16xi32>,
      %swap3A_978 = vector.shape_cast %swap3A_977 : vector<16xi32> to vector<16xi32>
      %swap3A_979 = vector.shape_cast %min3A_973 : vector<16xi32> to vector<16xi32>
      tpu.vector_store %arg5[%swap3A_976], %swap3A_979 {strides = array<i32>} : memref<3136xi32, #tpu.memory_space<vmem>>, vector<16xi32>,
      %mul3A_980 = arith.constant 6 : i32
      %mul3A_981 = arith.muli %scan3A_51, %mul3A_980 : i32
      %add3A_982 = arith.constant 5 : i32
      %add3A_983 = arith.addi %mul3A_981, %add3A_982 : i32
      %mul3A_984 = arith.constant 128 : i32
      %mul3A_985 = arith.muli %add3A_983, %mul3A_984 : i32
      %dma_start3A_986 = arith.constant 640 : i32
      %dma_start3A_987 = arith.constant 0 : i32
      %dma_start3A_988 = tpu.memref_slice %arg6[%dma_start3A_986, %dma_start3A_987] : memref<824x128xf32, #tpu.memory_space<vmem>> -> memref<128x128xf32, #tpu.memory_space<vmem>>
      %dma_start3A_989 = tpu.memref_slice %arg5[%mul3A_985] : memref<3136xi32, #tpu.memory_space<vmem>> -> memref<128xi32, #tpu.memory_space<vmem>>
      %dma_start3A_990 = arith.constant 0 : i32
      %dma_start3A_991 = arith.constant 0 : i32
      %dma_start3A_992 = tpu.memref_slice %arg7[%dma_start3A_990, %dma_start3A_991] : memref<512x128xf32, #tpu.memory_space<vmem_shared>> -> memref<512x128xf32, #tpu.memory_space<vmem_shared>>
      tpu.enqueue_indirect_dma source(%dma_start3A_992 : memref<512x128xf32, #tpu.memory_space<vmem_shared>>) target(%dma_start3A_988 : memref<128x128xf32, #tpu.memory_space<vmem>>) offsets(%dma_start3A_989 : memref<128xi32, #tpu.memory_space<vmem>>) semaphore(%arg13 : memref<!tpu.dma_semaphore, #tpu.memory_space<semaphore_mem>>)
      %not3A_993 = arith.constant true
      %not3A_994 = arith.xori %eq3A_3, %not3A_993 : i1
      %and3A = arith.andi %eq3A_53, %not3A_994 : i1
      %convert_element_type3A_995 = arith.extui %and3A : i1 to i32
      %cond3A_996 = arith.constant 0 : i32
      %cond3A_997 = arith.cmpi ne, %convert_element_type3A_995, %cond3A_996 : i32
      scf.if %cond3A_997 {
        %get3A_1099 = arith.constant 3072 : index
        %get3A_1100 = tpu.vector_load %arg5[%get3A_1099] {strides = array<i32>} : memref<3136xi32, #tpu.memory_space<vmem>>, vector<16xi32>,
        %get3A_1101 = vector.shape_cast %get3A_1100 : vector<16xi32> to vector<16xi32>
        %max3A_1102 = arith.constant 0 : i32
        %max3A_1103 = vector.broadcast %max3A_1102 : i32 to vector<16xi32>
        %max3A_1104 = arith.maxsi %get3A_1101, %max3A_1103 : vector<16xi32>
        %min3A_1105 = arith.constant 511 : i32
        %min3A_1106 = vector.broadcast %min3A_1105 : i32 to vector<16xi32>
        %min3A_1107 = arith.minsi %max3A_1104, %min3A_1106 : vector<16xi32>
        %swap3A_1108 = arith.constant 3072 : index
        %swap3A_1109 = tpu.vector_load %arg5[%swap3A_1108] {strides = array<i32>} : memref<3136xi32, #tpu.memory_space<vmem>>, vector<16xi32>,
        %swap3A_1110 = vector.shape_cast %swap3A_1109 : vector<16xi32> to vector<16xi32>
        %swap3A_1111 = vector.shape_cast %min3A_1107 : vector<16xi32> to vector<16xi32>
        tpu.vector_store %arg5[%swap3A_1108], %swap3A_1111 {strides = array<i32>} : memref<3136xi32, #tpu.memory_space<vmem>>, vector<16xi32>,
        %get3A_1112 = arith.constant 3088 : index
        %get3A_1113 = tpu.vector_load %arg5[%get3A_1112] {strides = array<i32>} : memref<3136xi32, #tpu.memory_space<vmem>>, vector<16xi32>,
        %get3A_1114 = vector.shape_cast %get3A_1113 : vector<16xi32> to vector<16xi32>
        %max3A_1115 = arith.constant 0 : i32
        %max3A_1116 = vector.broadcast %max3A_1115 : i32 to vector<16xi32>
        %max3A_1117 = arith.maxsi %get3A_1114, %max3A_1116 : vector<16xi32>
        %min3A_1118 = arith.constant 511 : i32
        %min3A_1119 = vector.broadcast %min3A_1118 : i32 to vector<16xi32>
        %min3A_1120 = arith.minsi %max3A_1117, %min3A_1119 : vector<16xi32>
        %swap3A_1121 = arith.constant 3088 : index
        %swap3A_1122 = tpu.vector_load %arg5[%swap3A_1121] {strides = array<i32>} : memref<3136xi32, #tpu.memory_space<vmem>>, vector<16xi32>,
        %swap3A_1123 = vector.shape_cast %swap3A_1122 : vector<16xi32> to vector<16xi32>
        %swap3A_1124 = vector.shape_cast %min3A_1120 : vector<16xi32> to vector<16xi32>
        tpu.vector_store %arg5[%swap3A_1121], %swap3A_1124 {strides = array<i32>} : memref<3136xi32, #tpu.memory_space<vmem>>, vector<16xi32>,
        %get3A_1125 = arith.constant 3104 : index
        %get3A_1126 = tpu.vector_load %arg5[%get3A_1125] {strides = array<i32>} : memref<3136xi32, #tpu.memory_space<vmem>>, vector<16xi32>,
        %get3A_1127 = vector.shape_cast %get3A_1126 : vector<16xi32> to vector<16xi32>
        %max3A_1128 = arith.constant 0 : i32
        %max3A_1129 = vector.broadcast %max3A_1128 : i32 to vector<16xi32>
        %max3A_1130 = arith.maxsi %get3A_1127, %max3A_1129 : vector<16xi32>
        %min3A_1131 = arith.constant 511 : i32
        %min3A_1132 = vector.broadcast %min3A_1131 : i32 to vector<16xi32>
        %min3A_1133 = arith.minsi %max3A_1130, %min3A_1132 : vector<16xi32>
        %swap3A_1134 = arith.constant 3104 : index
        %swap3A_1135 = tpu.vector_load %arg5[%swap3A_1134] {strides = array<i32>} : memref<3136xi32, #tpu.memory_space<vmem>>, vector<16xi32>,
        %swap3A_1136 = vector.shape_cast %swap3A_1135 : vector<16xi32> to vector<16xi32>
        %swap3A_1137 = vector.shape_cast %min3A_1133 : vector<16xi32> to vector<16xi32>
        tpu.vector_store %arg5[%swap3A_1134], %swap3A_1137 {strides = array<i32>} : memref<3136xi32, #tpu.memory_space<vmem>>, vector<16xi32>,
        %get3A_1138 = arith.constant 3120 : index
        %get3A_1139 = tpu.vector_load %arg5[%get3A_1138] {strides = array<i32>} : memref<3136xi32, #tpu.memory_space<vmem>>, vector<16xi32>,
        %get3A_1140 = vector.shape_cast %get3A_1139 : vector<16xi32> to vector<16xi32>
        %max3A_1141 = arith.constant 0 : i32
        %max3A_1142 = vector.broadcast %max3A_1141 : i32 to vector<16xi32>
        %max3A_1143 = arith.maxsi %get3A_1140, %max3A_1142 : vector<16xi32>
        %min3A_1144 = arith.constant 511 : i32
        %min3A_1145 = vector.broadcast %min3A_1144 : i32 to vector<16xi32>
        %min3A_1146 = arith.minsi %max3A_1143, %min3A_1145 : vector<16xi32>
        %swap3A_1147 = arith.constant 3120 : index
        %swap3A_1148 = tpu.vector_load %arg5[%swap3A_1147] {strides = array<i32>} : memref<3136xi32, #tpu.memory_space<vmem>>, vector<16xi32>,
        %swap3A_1149 = vector.shape_cast %swap3A_1148 : vector<16xi32> to vector<16xi32>
        %swap3A_1150 = vector.shape_cast %min3A_1146 : vector<16xi32> to vector<16xi32>
        tpu.vector_store %arg5[%swap3A_1147], %swap3A_1150 {strides = array<i32>} : memref<3136xi32, #tpu.memory_space<vmem>>, vector<16xi32>,
        %dma_start3A_1151 = arith.constant 768 : i32
        %dma_start3A_1152 = arith.constant 0 : i32
        %dma_start3A_1153 = tpu.memref_slice %arg6[%dma_start3A_1151, %dma_start3A_1152] : memref<824x128xf32, #tpu.memory_space<vmem>> -> memref<56x128xf32, #tpu.memory_space<vmem>>
        %dma_start3A_1154 = arith.constant 3072 : i32
        %dma_start3A_1155 = tpu.memref_slice %arg5[%dma_start3A_1154] : memref<3136xi32, #tpu.memory_space<vmem>> -> memref<56xi32, #tpu.memory_space<vmem>>
        %dma_start3A_1156 = arith.constant 0 : i32
        %dma_start3A_1157 = arith.constant 0 : i32
        %dma_start3A_1158 = tpu.memref_slice %arg7[%dma_start3A_1156, %dma_start3A_1157] : memref<512x128xf32, #tpu.memory_space<vmem_shared>> -> memref<512x128xf32, #tpu.memory_space<vmem_shared>>
        tpu.enqueue_indirect_dma source(%dma_start3A_1158 : memref<512x128xf32, #tpu.memory_space<vmem_shared>>) target(%dma_start3A_1153 : memref<56x128xf32, #tpu.memory_space<vmem>>) offsets(%dma_start3A_1155 : memref<56xi32, #tpu.memory_space<vmem>>) semaphore(%arg17 : memref<!tpu.dma_semaphore, #tpu.memory_space<semaphore_mem>>)
      } else {
      }
      %dma_wait3A_998 = arith.constant 0 : i32
      %dma_wait3A_999 = arith.constant 0 : i32
      %dma_wait3A_1000 = tpu.memref_slice %arg6[%dma_wait3A_998, %dma_wait3A_999] : memref<824x128xf32, #tpu.memory_space<vmem>> -> memref<128x128xf32, #tpu.memory_space<vmem>>
      %dma_wait3A_1001 = arith.constant 0 : i32
      %dma_wait3A_1002 = tpu.memref_slice %arg5[%dma_wait3A_1001] : memref<3136xi32, #tpu.memory_space<vmem>> -> memref<128xi32, #tpu.memory_space<vmem>>
      %dma_wait3A_1003 = arith.constant 0 : i32
      %dma_wait3A_1004 = arith.constant 0 : i32
      %dma_wait3A_1005 = tpu.memref_slice %arg7[%dma_wait3A_1003, %dma_wait3A_1004] : memref<512x128xf32, #tpu.memory_space<vmem_shared>> -> memref<512x128xf32, #tpu.memory_space<vmem_shared>>
      tpu.wait_indirect_dma semaphore(%arg8 : memref<!tpu.dma_semaphore, #tpu.memory_space<semaphore_mem>>) src(%dma_wait3A_1005 : memref<512x128xf32, #tpu.memory_space<vmem_shared>>) dst(%dma_wait3A_1000 : memref<128x128xf32, #tpu.memory_space<vmem>>)
      %dma_wait3A_1006 = arith.constant 128 : i32
      %dma_wait3A_1007 = arith.constant 0 : i32
      %dma_wait3A_1008 = tpu.memref_slice %arg6[%dma_wait3A_1006, %dma_wait3A_1007] : memref<824x128xf32, #tpu.memory_space<vmem>> -> memref<128x128xf32, #tpu.memory_space<vmem>>
      %dma_wait3A_1009 = arith.constant 0 : i32
      %dma_wait3A_1010 = tpu.memref_slice %arg5[%dma_wait3A_1009] : memref<3136xi32, #tpu.memory_space<vmem>> -> memref<128xi32, #tpu.memory_space<vmem>>
      %dma_wait3A_1011 = arith.constant 0 : i32
      %dma_wait3A_1012 = arith.constant 0 : i32
      %dma_wait3A_1013 = tpu.memref_slice %arg7[%dma_wait3A_1011, %dma_wait3A_1012] : memref<512x128xf32, #tpu.memory_space<vmem_shared>> -> memref<512x128xf32, #tpu.memory_space<vmem_shared>>
      tpu.wait_indirect_dma semaphore(%arg9 : memref<!tpu.dma_semaphore, #tpu.memory_space<semaphore_mem>>) src(%dma_wait3A_1013 : memref<512x128xf32, #tpu.memory_space<vmem_shared>>) dst(%dma_wait3A_1008 : memref<128x128xf32, #tpu.memory_space<vmem>>)
      %mul3A_1014 = arith.constant 6 : i32
      %mul3A_1015 = arith.muli %scan3A_51, %mul3A_1014 : i32
      %add3A_1016 = arith.constant 0 : i32
      %add3A_1017 = arith.addi %mul3A_1015, %add3A_1016 : i32
      %mul3A_1018 = arith.constant 128 : i32
      %mul3A_1019 = arith.muli %add3A_1017, %mul3A_1018 : i32
      %add3A_1020 = arith.addi %mul3A_2, %mul3A_1019 : i32
      %dma_start3A_1021 = arith.constant 0 : i32
      %dma_start3A_1022 = arith.constant 0 : i32
      %dma_start3A_1023 = tpu.memref_slice %arg6[%dma_start3A_1021, %dma_start3A_1022] : memref<824x128xf32, #tpu.memory_space<vmem>> -> memref<256x128xf32, #tpu.memory_space<vmem>>
      %dma_start3A_1024 = arith.constant 0 : i32
      %dma_start3A_1025 = tpu.memref_slice %arg4[%add3A_1020, %dma_start3A_1024] : memref<100000x128xf32, #tpu.memory_space<hbm>> -> memref<256x128xf32, #tpu.memory_space<hbm>>
      %dma_start3A_1026 = arith.constant 0 : i32
      %dma_start3A_1027 = tpu.memref_slice %arg4[%add3A_1020, %dma_start3A_1026] : memref<100000x128xf32, #tpu.memory_space<hbm>> -> memref<256x128xf32, #tpu.memory_space<hbm>>
      %dma_start3A_1028 = arith.constant 0 : i32
      %dma_start3A_1029 = arith.constant 0 : i32
      %dma_start3A_1030 = tpu.memref_slice %arg6[%dma_start3A_1028, %dma_start3A_1029] : memref<824x128xf32, #tpu.memory_space<vmem>> -> memref<256x128xf32, #tpu.memory_space<vmem>>
      tpu.enqueue_dma source(%dma_start3A_1030 : memref<256x128xf32, #tpu.memory_space<vmem>>) target(%dma_start3A_1027 : memref<256x128xf32, #tpu.memory_space<hbm>>) target_semaphore(%arg14 : memref<!tpu.dma_semaphore, #tpu.memory_space<semaphore_mem>>)
      %dma_wait3A_1031 = arith.constant 256 : i32
      %dma_wait3A_1032 = arith.constant 0 : i32
      %dma_wait3A_1033 = tpu.memref_slice %arg6[%dma_wait3A_1031, %dma_wait3A_1032] : memref<824x128xf32, #tpu.memory_space<vmem>> -> memref<128x128xf32, #tpu.memory_space<vmem>>
      %dma_wait3A_1034 = arith.constant 0 : i32
      %dma_wait3A_1035 = tpu.memref_slice %arg5[%dma_wait3A_1034] : memref<3136xi32, #tpu.memory_space<vmem>> -> memref<128xi32, #tpu.memory_space<vmem>>
      %dma_wait3A_1036 = arith.constant 0 : i32
      %dma_wait3A_1037 = arith.constant 0 : i32
      %dma_wait3A_1038 = tpu.memref_slice %arg7[%dma_wait3A_1036, %dma_wait3A_1037] : memref<512x128xf32, #tpu.memory_space<vmem_shared>> -> memref<512x128xf32, #tpu.memory_space<vmem_shared>>
      tpu.wait_indirect_dma semaphore(%arg10 : memref<!tpu.dma_semaphore, #tpu.memory_space<semaphore_mem>>) src(%dma_wait3A_1038 : memref<512x128xf32, #tpu.memory_space<vmem_shared>>) dst(%dma_wait3A_1033 : memref<128x128xf32, #tpu.memory_space<vmem>>)
      %dma_wait3A_1039 = arith.constant 384 : i32
      %dma_wait3A_1040 = arith.constant 0 : i32
      %dma_wait3A_1041 = tpu.memref_slice %arg6[%dma_wait3A_1039, %dma_wait3A_1040] : memref<824x128xf32, #tpu.memory_space<vmem>> -> memref<128x128xf32, #tpu.memory_space<vmem>>
      %dma_wait3A_1042 = arith.constant 0 : i32
      %dma_wait3A_1043 = tpu.memref_slice %arg5[%dma_wait3A_1042] : memref<3136xi32, #tpu.memory_space<vmem>> -> memref<128xi32, #tpu.memory_space<vmem>>
      %dma_wait3A_1044 = arith.constant 0 : i32
      %dma_wait3A_1045 = arith.constant 0 : i32
      %dma_wait3A_1046 = tpu.memref_slice %arg7[%dma_wait3A_1044, %dma_wait3A_1045] : memref<512x128xf32, #tpu.memory_space<vmem_shared>> -> memref<512x128xf32, #tpu.memory_space<vmem_shared>>
      tpu.wait_indirect_dma semaphore(%arg11 : memref<!tpu.dma_semaphore, #tpu.memory_space<semaphore_mem>>) src(%dma_wait3A_1046 : memref<512x128xf32, #tpu.memory_space<vmem_shared>>) dst(%dma_wait3A_1041 : memref<128x128xf32, #tpu.memory_space<vmem>>)
      %mul3A_1047 = arith.constant 6 : i32
      %mul3A_1048 = arith.muli %scan3A_51, %mul3A_1047 : i32
      %add3A_1049 = arith.constant 2 : i32
      %add3A_1050 = arith.addi %mul3A_1048, %add3A_1049 : i32
      %mul3A_1051 = arith.constant 128 : i32
      %mul3A_1052 = arith.muli %add3A_1050, %mul3A_1051 : i32
      %add3A_1053 = arith.addi %mul3A_2, %mul3A_1052 : i32
      %dma_start3A_1054 = arith.constant 256 : i32
      %dma_start3A_1055 = arith.constant 0 : i32
      %dma_start3A_1056 = tpu.memref_slice %arg6[%dma_start3A_1054, %dma_start3A_1055] : memref<824x128xf32, #tpu.memory_space<vmem>> -> memref<256x128xf32, #tpu.memory_space<vmem>>
      %dma_start3A_1057 = arith.constant 0 : i32
      %dma_start3A_1058 = tpu.memref_slice %arg4[%add3A_1053, %dma_start3A_1057] : memref<100000x128xf32, #tpu.memory_space<hbm>> -> memref<256x128xf32, #tpu.memory_space<hbm>>
      %dma_start3A_1059 = arith.constant 0 : i32
      %dma_start3A_1060 = tpu.memref_slice %arg4[%add3A_1053, %dma_start3A_1059] : memref<100000x128xf32, #tpu.memory_space<hbm>> -> memref<256x128xf32, #tpu.memory_space<hbm>>
      %dma_start3A_1061 = arith.constant 256 : i32
      %dma_start3A_1062 = arith.constant 0 : i32
      %dma_start3A_1063 = tpu.memref_slice %arg6[%dma_start3A_1061, %dma_start3A_1062] : memref<824x128xf32, #tpu.memory_space<vmem>> -> memref<256x128xf32, #tpu.memory_space<vmem>>
      tpu.enqueue_dma source(%dma_start3A_1063 : memref<256x128xf32, #tpu.memory_space<vmem>>) target(%dma_start3A_1060 : memref<256x128xf32, #tpu.memory_space<hbm>>) target_semaphore(%arg15 : memref<!tpu.dma_semaphore, #tpu.memory_space<semaphore_mem>>)
      %dma_wait3A_1064 = arith.constant 512 : i32
      %dma_wait3A_1065 = arith.constant 0 : i32
      %dma_wait3A_1066 = tpu.memref_slice %arg6[%dma_wait3A_1064, %dma_wait3A_1065] : memref<824x128xf32, #tpu.memory_space<vmem>> -> memref<128x128xf32, #tpu.memory_space<vmem>>
      %dma_wait3A_1067 = arith.constant 0 : i32
      %dma_wait3A_1068 = tpu.memref_slice %arg5[%dma_wait3A_1067] : memref<3136xi32, #tpu.memory_space<vmem>> -> memref<128xi32, #tpu.memory_space<vmem>>
      %dma_wait3A_1069 = arith.constant 0 : i32
      %dma_wait3A_1070 = arith.constant 0 : i32
      %dma_wait3A_1071 = tpu.memref_slice %arg7[%dma_wait3A_1069, %dma_wait3A_1070] : memref<512x128xf32, #tpu.memory_space<vmem_shared>> -> memref<512x128xf32, #tpu.memory_space<vmem_shared>>
      tpu.wait_indirect_dma semaphore(%arg12 : memref<!tpu.dma_semaphore, #tpu.memory_space<semaphore_mem>>) src(%dma_wait3A_1071 : memref<512x128xf32, #tpu.memory_space<vmem_shared>>) dst(%dma_wait3A_1066 : memref<128x128xf32, #tpu.memory_space<vmem>>)
      %dma_wait3A_1072 = arith.constant 640 : i32
      %dma_wait3A_1073 = arith.constant 0 : i32
      %dma_wait3A_1074 = tpu.memref_slice %arg6[%dma_wait3A_1072, %dma_wait3A_1073] : memref<824x128xf32, #tpu.memory_space<vmem>> -> memref<128x128xf32, #tpu.memory_space<vmem>>
      %dma_wait3A_1075 = arith.constant 0 : i32
      %dma_wait3A_1076 = tpu.memref_slice %arg5[%dma_wait3A_1075] : memref<3136xi32, #tpu.memory_space<vmem>> -> memref<128xi32, #tpu.memory_space<vmem>>
      %dma_wait3A_1077 = arith.constant 0 : i32
      %dma_wait3A_1078 = arith.constant 0 : i32
      %dma_wait3A_1079 = tpu.memref_slice %arg7[%dma_wait3A_1077, %dma_wait3A_1078] : memref<512x128xf32, #tpu.memory_space<vmem_shared>> -> memref<512x128xf32, #tpu.memory_space<vmem_shared>>
      tpu.wait_indirect_dma semaphore(%arg13 : memref<!tpu.dma_semaphore, #tpu.memory_space<semaphore_mem>>) src(%dma_wait3A_1079 : memref<512x128xf32, #tpu.memory_space<vmem_shared>>) dst(%dma_wait3A_1074 : memref<128x128xf32, #tpu.memory_space<vmem>>)
      %mul3A_1080 = arith.constant 6 : i32
      %mul3A_1081 = arith.muli %scan3A_51, %mul3A_1080 : i32
      %add3A_1082 = arith.constant 4 : i32
      %add3A_1083 = arith.addi %mul3A_1081, %add3A_1082 : i32
      %not3A_1084 = arith.constant true
      %not3A_1085 = arith.xori %eq3A_53, %not3A_1084 : i1
      %convert_element_type3A_1086 = arith.extui %not3A_1085 : i1 to i32
      %cond3A_1087 = arith.constant 0 : i32
      %cond3A_1088 = arith.cmpi ne, %convert_element_type3A_1086, %cond3A_1087 : i32
      scf.if %cond3A_1088 {
        %mul3A_1099 = arith.constant 128 : i32
        %mul3A_1100 = arith.muli %add3A_1083, %mul3A_1099 : i32
        %add3A_1101 = arith.addi %mul3A_2, %mul3A_1100 : i32
        %dma_start3A_1102 = arith.constant 512 : i32
        %dma_start3A_1103 = arith.constant 0 : i32
        %dma_start3A_1104 = tpu.memref_slice %arg6[%dma_start3A_1102, %dma_start3A_1103] : memref<824x128xf32, #tpu.memory_space<vmem>> -> memref<256x128xf32, #tpu.memory_space<vmem>>
        %dma_start3A_1105 = arith.constant 0 : i32
        %dma_start3A_1106 = tpu.memref_slice %arg4[%add3A_1101, %dma_start3A_1105] : memref<100000x128xf32, #tpu.memory_space<hbm>> -> memref<256x128xf32, #tpu.memory_space<hbm>>
        %dma_start3A_1107 = arith.constant 0 : i32
        %dma_start3A_1108 = tpu.memref_slice %arg4[%add3A_1101, %dma_start3A_1107] : memref<100000x128xf32, #tpu.memory_space<hbm>> -> memref<256x128xf32, #tpu.memory_space<hbm>>
        %dma_start3A_1109 = arith.constant 512 : i32
        %dma_start3A_1110 = arith.constant 0 : i32
        %dma_start3A_1111 = tpu.memref_slice %arg6[%dma_start3A_1109, %dma_start3A_1110] : memref<824x128xf32, #tpu.memory_space<vmem>> -> memref<256x128xf32, #tpu.memory_space<vmem>>
        tpu.enqueue_dma source(%dma_start3A_1111 : memref<256x128xf32, #tpu.memory_space<vmem>>) target(%dma_start3A_1108 : memref<256x128xf32, #tpu.memory_space<hbm>>) target_semaphore(%arg16 : memref<!tpu.dma_semaphore, #tpu.memory_space<semaphore_mem>>)
      } else {
      }
      %not3A_1089 = arith.constant true
      %not3A_1090 = arith.xori %eq3A_3, %not3A_1089 : i1
      %and3A_1091 = arith.andi %eq3A_53, %not3A_1090 : i1
      %convert_element_type3A_1092 = arith.extui %and3A_1091 : i1 to i32
      %cond3A_1093 = arith.constant 0 : i32
      %cond3A_1094 = arith.cmpi ne, %convert_element_type3A_1092, %cond3A_1093 : i32
      scf.if %cond3A_1094 {
        %dma_wait3A_1099 = arith.constant 768 : i32
        %dma_wait3A_1100 = arith.constant 0 : i32
        %dma_wait3A_1101 = tpu.memref_slice %arg6[%dma_wait3A_1099, %dma_wait3A_1100] : memref<824x128xf32, #tpu.memory_space<vmem>> -> memref<56x128xf32, #tpu.memory_space<vmem>>
        %dma_wait3A_1102 = arith.constant 3072 : i32
        %dma_wait3A_1103 = tpu.memref_slice %arg5[%dma_wait3A_1102] : memref<3136xi32, #tpu.memory_space<vmem>> -> memref<56xi32, #tpu.memory_space<vmem>>
        %dma_wait3A_1104 = arith.constant 0 : i32
        %dma_wait3A_1105 = arith.constant 0 : i32
        %dma_wait3A_1106 = tpu.memref_slice %arg7[%dma_wait3A_1104, %dma_wait3A_1105] : memref<512x128xf32, #tpu.memory_space<vmem_shared>> -> memref<512x128xf32, #tpu.memory_space<vmem_shared>>
        tpu.wait_indirect_dma semaphore(%arg17 : memref<!tpu.dma_semaphore, #tpu.memory_space<semaphore_mem>>) src(%dma_wait3A_1106 : memref<512x128xf32, #tpu.memory_space<vmem_shared>>) dst(%dma_wait3A_1101 : memref<56x128xf32, #tpu.memory_space<vmem>>)
        %mul3A_1107 = arith.constant 128 : i32
        %mul3A_1108 = arith.muli %add3A_1083, %mul3A_1107 : i32
        %add3A_1109 = arith.addi %mul3A_2, %mul3A_1108 : i32
        %dma_start3A_1110 = arith.constant 512 : i32
        %dma_start3A_1111 = arith.constant 0 : i32
        %dma_start3A_1112 = tpu.memref_slice %arg6[%dma_start3A_1110, %dma_start3A_1111] : memref<824x128xf32, #tpu.memory_space<vmem>> -> memref<312x128xf32, #tpu.memory_space<vmem>>
        %dma_start3A_1113 = arith.constant 0 : i32
        %dma_start3A_1114 = tpu.memref_slice %arg4[%add3A_1109, %dma_start3A_1113] : memref<100000x128xf32, #tpu.memory_space<hbm>> -> memref<312x128xf32, #tpu.memory_space<hbm>>
        %dma_start3A_1115 = arith.constant 0 : i32
        %dma_start3A_1116 = tpu.memref_slice %arg4[%add3A_1109, %dma_start3A_1115] : memref<100000x128xf32, #tpu.memory_space<hbm>> -> memref<312x128xf32, #tpu.memory_space<hbm>>
        %dma_start3A_1117 = arith.constant 512 : i32
        %dma_start3A_1118 = arith.constant 0 : i32
        %dma_start3A_1119 = tpu.memref_slice %arg6[%dma_start3A_1117, %dma_start3A_1118] : memref<824x128xf32, #tpu.memory_space<vmem>> -> memref<312x128xf32, #tpu.memory_space<vmem>>
        tpu.enqueue_dma source(%dma_start3A_1119 : memref<312x128xf32, #tpu.memory_space<vmem>>) target(%dma_start3A_1116 : memref<312x128xf32, #tpu.memory_space<hbm>>) target_semaphore(%arg16 : memref<!tpu.dma_semaphore, #tpu.memory_space<semaphore_mem>>)
      } else {
      }
      %and3A_1095 = arith.andi %eq3A_53, %eq3A_3 : i1
      %convert_element_type3A_1096 = arith.extui %and3A_1095 : i1 to i32
      %cond3A_1097 = arith.constant 0 : i32
      %cond3A_1098 = arith.cmpi ne, %convert_element_type3A_1096, %cond3A_1097 : i32
      scf.if %cond3A_1098 {
        %mul3A_1099 = arith.constant 128 : i32
        %mul3A_1100 = arith.muli %add3A_1083, %mul3A_1099 : i32
        %add3A_1101 = arith.addi %mul3A_2, %mul3A_1100 : i32
        %dma_start3A_1102 = arith.constant 512 : i32
        %dma_start3A_1103 = arith.constant 0 : i32
        %dma_start3A_1104 = tpu.memref_slice %arg6[%dma_start3A_1102, %dma_start3A_1103] : memref<824x128xf32, #tpu.memory_space<vmem>> -> memref<216x128xf32, #tpu.memory_space<vmem>>
        %dma_start3A_1105 = arith.constant 0 : i32
        %dma_start3A_1106 = tpu.memref_slice %arg4[%add3A_1101, %dma_start3A_1105] : memref<100000x128xf32, #tpu.memory_space<hbm>> -> memref<216x128xf32, #tpu.memory_space<hbm>>
        %dma_start3A_1107 = arith.constant 0 : i32
        %dma_start3A_1108 = tpu.memref_slice %arg4[%add3A_1101, %dma_start3A_1107] : memref<100000x128xf32, #tpu.memory_space<hbm>> -> memref<216x128xf32, #tpu.memory_space<hbm>>
        %dma_start3A_1109 = arith.constant 512 : i32
        %dma_start3A_1110 = arith.constant 0 : i32
        %dma_start3A_1111 = tpu.memref_slice %arg6[%dma_start3A_1109, %dma_start3A_1110] : memref<824x128xf32, #tpu.memory_space<vmem>> -> memref<216x128xf32, #tpu.memory_space<vmem>>
        tpu.enqueue_dma source(%dma_start3A_1111 : memref<216x128xf32, #tpu.memory_space<vmem>>) target(%dma_start3A_1108 : memref<216x128xf32, #tpu.memory_space<hbm>>) target_semaphore(%arg16 : memref<!tpu.dma_semaphore, #tpu.memory_space<semaphore_mem>>)
      } else {
      }
    }
    %scan3A_23 = arith.constant 4 : i32
    %dma_wait3A = arith.constant 0 : i32
    %dma_wait3A_24 = arith.constant 0 : i32
    %dma_wait3A_25 = tpu.memref_slice %arg6[%dma_wait3A, %dma_wait3A_24] : memref<824x128xf32, #tpu.memory_space<vmem>> -> memref<256x128xf32, #tpu.memory_space<vmem>>
    %dma_wait3A_26 = arith.constant 0 : i32
    %dma_wait3A_27 = tpu.memref_slice %arg4[%mul3A_2, %dma_wait3A_26] : memref<100000x128xf32, #tpu.memory_space<hbm>> -> memref<256x128xf32, #tpu.memory_space<hbm>>
    %dma_wait3A_28 = arith.constant 0 : i32
    %dma_wait3A_29 = tpu.memref_slice %arg4[%mul3A_2, %dma_wait3A_28] : memref<100000x128xf32, #tpu.memory_space<hbm>> -> memref<256x128xf32, #tpu.memory_space<hbm>>
    %dma_wait3A_30 = arith.constant 0 : i32
    %dma_wait3A_31 = arith.constant 0 : i32
    %dma_wait3A_32 = tpu.memref_slice %arg6[%dma_wait3A_30, %dma_wait3A_31] : memref<824x128xf32, #tpu.memory_space<vmem>> -> memref<256x128xf32, #tpu.memory_space<vmem>>
    tpu.wait_dma2 semaphore(%arg14 : memref<!tpu.dma_semaphore, #tpu.memory_space<semaphore_mem>>) src(%dma_wait3A_32 : memref<256x128xf32, #tpu.memory_space<vmem>>) dst(%dma_wait3A_29 : memref<256x128xf32, #tpu.memory_space<hbm>>)
    %dma_wait3A_33 = arith.constant 256 : i32
    %dma_wait3A_34 = arith.constant 0 : i32
    %dma_wait3A_35 = tpu.memref_slice %arg6[%dma_wait3A_33, %dma_wait3A_34] : memref<824x128xf32, #tpu.memory_space<vmem>> -> memref<256x128xf32, #tpu.memory_space<vmem>>
    %dma_wait3A_36 = arith.constant 0 : i32
    %dma_wait3A_37 = tpu.memref_slice %arg4[%mul3A_2, %dma_wait3A_36] : memref<100000x128xf32, #tpu.memory_space<hbm>> -> memref<256x128xf32, #tpu.memory_space<hbm>>
    %dma_wait3A_38 = arith.constant 0 : i32
    %dma_wait3A_39 = tpu.memref_slice %arg4[%mul3A_2, %dma_wait3A_38] : memref<100000x128xf32, #tpu.memory_space<hbm>> -> memref<256x128xf32, #tpu.memory_space<hbm>>
    %dma_wait3A_40 = arith.constant 256 : i32
    %dma_wait3A_41 = arith.constant 0 : i32
    %dma_wait3A_42 = tpu.memref_slice %arg6[%dma_wait3A_40, %dma_wait3A_41] : memref<824x128xf32, #tpu.memory_space<vmem>> -> memref<256x128xf32, #tpu.memory_space<vmem>>
    tpu.wait_dma2 semaphore(%arg15 : memref<!tpu.dma_semaphore, #tpu.memory_space<semaphore_mem>>) src(%dma_wait3A_42 : memref<256x128xf32, #tpu.memory_space<vmem>>) dst(%dma_wait3A_39 : memref<256x128xf32, #tpu.memory_space<hbm>>)
    %not3A_43 = arith.constant true
    %not3A_44 = arith.xori %eq3A_3, %not3A_43 : i1
    %convert_element_type3A_45 = arith.extui %not3A_44 : i1 to i32
    %cond3A_46 = arith.constant 0 : i32
    %cond3A_47 = arith.cmpi ne, %convert_element_type3A_45, %cond3A_46 : i32
    scf.if %cond3A_47 {
      %dma_wait3A_51 = arith.constant 512 : i32
      %dma_wait3A_52 = arith.constant 0 : i32
      %dma_wait3A_53 = tpu.memref_slice %arg6[%dma_wait3A_51, %dma_wait3A_52] : memref<824x128xf32, #tpu.memory_space<vmem>> -> memref<312x128xf32, #tpu.memory_space<vmem>>
      %dma_wait3A_54 = arith.constant 0 : i32
      %dma_wait3A_55 = tpu.memref_slice %arg4[%mul3A_2, %dma_wait3A_54] : memref<100000x128xf32, #tpu.memory_space<hbm>> -> memref<312x128xf32, #tpu.memory_space<hbm>>
      %dma_wait3A_56 = arith.constant 0 : i32
      %dma_wait3A_57 = tpu.memref_slice %arg4[%mul3A_2, %dma_wait3A_56] : memref<100000x128xf32, #tpu.memory_space<hbm>> -> memref<312x128xf32, #tpu.memory_space<hbm>>
      %dma_wait3A_58 = arith.constant 512 : i32
      %dma_wait3A_59 = arith.constant 0 : i32
      %dma_wait3A_60 = tpu.memref_slice %arg6[%dma_wait3A_58, %dma_wait3A_59] : memref<824x128xf32, #tpu.memory_space<vmem>> -> memref<312x128xf32, #tpu.memory_space<vmem>>
      tpu.wait_dma2 semaphore(%arg16 : memref<!tpu.dma_semaphore, #tpu.memory_space<semaphore_mem>>) src(%dma_wait3A_60 : memref<312x128xf32, #tpu.memory_space<vmem>>) dst(%dma_wait3A_57 : memref<312x128xf32, #tpu.memory_space<hbm>>)
    } else {
    }
    %convert_element_type3A_48 = arith.extui %eq3A_3 : i1 to i32
    %cond3A_49 = arith.constant 0 : i32
    %cond3A_50 = arith.cmpi ne, %convert_element_type3A_48, %cond3A_49 : i32
    scf.if %cond3A_50 {
      %dma_wait3A_51 = arith.constant 512 : i32
      %dma_wait3A_52 = arith.constant 0 : i32
      %dma_wait3A_53 = tpu.memref_slice %arg6[%dma_wait3A_51, %dma_wait3A_52] : memref<824x128xf32, #tpu.memory_space<vmem>> -> memref<216x128xf32, #tpu.memory_space<vmem>>
      %dma_wait3A_54 = arith.constant 0 : i32
      %dma_wait3A_55 = tpu.memref_slice %arg4[%mul3A_2, %dma_wait3A_54] : memref<100000x128xf32, #tpu.memory_space<hbm>> -> memref<216x128xf32, #tpu.memory_space<hbm>>
      %dma_wait3A_56 = arith.constant 0 : i32
      %dma_wait3A_57 = tpu.memref_slice %arg4[%mul3A_2, %dma_wait3A_56] : memref<100000x128xf32, #tpu.memory_space<hbm>> -> memref<216x128xf32, #tpu.memory_space<hbm>>
      %dma_wait3A_58 = arith.constant 512 : i32
      %dma_wait3A_59 = arith.constant 0 : i32
      %dma_wait3A_60 = tpu.memref_slice %arg6[%dma_wait3A_58, %dma_wait3A_59] : memref<824x128xf32, #tpu.memory_space<vmem>> -> memref<216x128xf32, #tpu.memory_space<vmem>>
      tpu.wait_dma2 semaphore(%arg16 : memref<!tpu.dma_semaphore, #tpu.memory_space<semaphore_mem>>) src(%dma_wait3A_60 : memref<216x128xf32, #tpu.memory_space<vmem>>) dst(%dma_wait3A_57 : memref<216x128xf32, #tpu.memory_space<hbm>>)
    } else {
    }
    return
  }
}

</mosaic_0001>

<sc_bundles>
// kernel: kernel.3.cloned.1.call-start
scs
__scs_entry_jumppad:
0x0: {  	(pc) =	sbr.rel $0x88, $3  }
0x1: {  	(tag) =	ssettag $0x0;
	lr =	simm.s32 $0x1  }
0x2: {  	[smem:$0x3F9F] =	sst lr;
	_ =	strace $0xD0000000  }
0x3: {  	_ = 	snop  }
0x4: {  	_ = 	snop  }
0x5: {  	_ = 	snop  }
0x6: {  	_ = 	snop  }
0x7: {  	_ = 	snop  }
__scs_overlays_trampoline_lowered:
0x8: {  	[smem:$0x3FAE] =	sst s0  }
0x9: {  	[smem:$0x3FAF] =	sst s1  }
0xa: {  	[smem:$0x3FB0] =	sst s2  }
0xb: {  	[smem:$0x3FB1] =	sst s3  }
0xc: {  	[smem:$0x3FB2] =	sst s4  }
0xd: {  	[smem:$0x3FB3] =	sst s5  }
0xe: {  	[smem:$0x3FB4] =	sst s6  }
0xf: {  	[smem:$0x3FB5] =	sst s7  }
0x10: {  	[smem:$0x3FB6] =	sst s8  }
0x11: {  	[smem:$0x3FB7] =	sst s9;
	s0 =	simm.s32 @!p0 $0x0  }
0x12: {  	s1 =	sld [smem:$0x3F9D];
	s0 =	simm.s32 @p0 $0x1  }
0x13: {  	[smem:$0x3FB8] =	sst s0;
	s0 =	simm.s32 @!p1 $0x0  }
0x14: {  	s2 =	sld [smem:$0x3F9C];
	s0 =	simm.s32 @p1 $0x1  }
0x15: {  	[smem:$0x3FB9] =	sst s0;
	s0 =	simm.s32 @!p2 $0x0  }
0x16: {  	s3 =	sld [smem:$0x3FDB];
	s0 =	simm.s32 @p2 $0x1  }
0x17: {  	s4 =	simm.s32 $0x1BF5;
	[smem:$0x3FBB] =	sst s0  }
0x18: {  	s0 =	sld [smem:$0x3F9E];
	_ =	swait.ge [sflag:s4], $0x0  }
0x19: {  	s7 =	sld [smem:$0x3F9F]  }
0x1a: {  	s8 =	sadd.s32 $0xFFFFE003, lr  }
0x1b: {  	s9 =	sadd.s32 $0xFFFFFEF7, lr;
	s5 =	simm.s32 $0xFFFFFFFF;
	p2 =	slt.u32 s8, $0xFFFFF086  }
0x1c: {  	p1 =	slt.u32 s9, $0xF7A;
	s5 =	simm.s32 @!p2 $0x0  }
0x1d: {  	s5 =	simm.s32 @p1 $0x1;
	p0 =	seq.s32 s7, s2  }
0x1e: {  	s7 =	smul.u32 @!p0 $0xF7A, s2;
	p2 =	seq.s32 @!p0 s5, $0x0  }
0x1f: {  	s9 =	smul.u32 $0xF7A, s1;
	s8 =	simm.s32 @!p0 $0x1BF5;
	p2 =	por !p2, p0  }
0x20: {  	[sflag:s8] =	ssyncset.s32 @!p0 $0xFFFFF086;
	s6 =	sadd.s32 @!p0 s3, s7;
	s7 =	simm.s32 @!p0 $0x108  }
0x21: {  	s3 =	sadd.s32 s3, s9;
	s6 =	sadd.s32 @!p0 $0x88, s6;
	s7 =	simm.s32 @p2 $0x1082  }
0x22: {  	[simem:s7], [sflag:s8] =	dma.local @!p0 [hbm:s6], $0xF7A  }
0x23: {  	s9 =	sor.u32 $0xD0000000, s2;
	s6 =	simm.s32 $0x108;
	_ =	swait.ge @!p0 [sflag:s8], $0x0  }
0x24: {  	s3 =	sadd.s32 $0x88, s3;
	s6 =	simm.s32 @!p1 $0x1082;
	[sflag:s4] =	ssyncset.s32 $0xFFFFF086  }
0x25: {  	[simem:s6], [sflag:s4] =	dma.local [hbm:s3], $0xF7A  }
0x26: {  	[smem:$0x3F9F] =	sst s1;
	(tag) =	ssettag s2;
	_ =	strace s9  }
0x27: {  	s1 =	sld [smem:$0x3FAF]  }
0x28: {  	s2 =	sld [smem:$0x3FB0]  }
0x29: {  	s4 =	sld [smem:$0x3FB2]  }
0x2a: {  	p0 =	seq.s32 s5, $0x0;
	s5 =	sld [smem:$0x3FB3]  }
0x2b: {  	s6 =	sld [smem:$0x3FB4]  }
0x2c: {  	s7 =	sld [smem:$0x3FB5]  }
0x2d: {  	s3 =	simm.s32 $0x108;
	s8 =	sld [smem:$0x3FB6]  }
0x2e: {  	s3 =	simm.s32 @!p0 $0x1082;
	s9 =	sld [smem:$0x3FB7]  }
0x2f: {  	lr =	sadd.s32 s0, s3;
	s0 =	sld [smem:$0x3FAE]  }
0x30: {  	s3 =	sld [smem:$0x3FB1]  }
0x31: {  	[smem:$0x3FBA] =	sst s10  }
0x32: {  	s10 =	sld [smem:$0x3FB8];
	_ =	sdelay $0x3  }
0x33: {  	p0 =	seq.s32 s10, $0x1;
	s10 =	sld [smem:$0x3FBA];
	_ =	sdelay $0x3  }
0x34: {  	[smem:$0x3FBA] =	sst s10  }
0x35: {  	s10 =	sld [smem:$0x3FB9];
	_ =	sdelay $0x3  }
0x36: {  	p1 =	seq.s32 s10, $0x1;
	s10 =	sld [smem:$0x3FBA];
	_ =	sdelay $0x3  }
0x37: {  	[smem:$0x3FBA] =	sst s10  }
0x38: {  	s10 =	sld [smem:$0x3FBB]  }
0x39: {  	_ = 	snop;
	(pc) =	sbr.ind lr, $3  }
0x3a: {  	_ = 	snop  }
0x3b: {  	_ = 	snop  }
0x3c: {  	p2 =	seq.s32 s10, $0x1;
	s10 =	sld [smem:$0x3FBA]  }
0x3d: {  	_ =	shalt  }
0x3e: {  	_ =	shalt  }
0x3f: {  	_ =	shalt  }
0x40: {  	_ =	shalt  }
0x41: {  	_ =	shalt  }
0x42: {  	_ =	shalt  }
0x43: {  	_ =	shalt  }
0x44: {  	_ =	shalt  }
0x45: {  	_ =	shalt  }
0x46: {  	_ =	shalt  }
0x47: {  	_ =	shalt  }
0x48: {  	_ =	shalt  }
0x49: {  	_ =	shalt  }
0x4a: {  	_ =	shalt  }
0x4b: {  	_ =	shalt  }
0x4c: {  	_ =	shalt  }
0x4d: {  	_ =	shalt  }
0x4e: {  	_ =	shalt  }
0x4f: {  	_ =	shalt  }
0x50: {  	_ =	shalt  }
0x51: {  	_ =	shalt  }
0x52: {  	_ =	shalt  }
0x53: {  	_ =	shalt  }
0x54: {  	_ =	shalt  }
0x55: {  	_ =	shalt  }
0x56: {  	_ =	shalt  }
0x57: {  	_ =	shalt  }
0x58: {  	_ =	shalt  }
0x59: {  	_ =	shalt  }
0x5a: {  	_ =	shalt  }
0x5b: {  	_ =	shalt  }
0x5c: {  	_ =	shalt  }
0x5d: {  	_ =	shalt  }
0x5e: {  	_ =	shalt  }
0x5f: {  	_ =	shalt  }
0x60: {  	_ =	shalt  }
0x61: {  	_ =	shalt  }
0x62: {  	_ =	shalt  }
0x63: {  	_ =	shalt  }
0x64: {  	_ =	shalt  }
0x65: {  	_ =	shalt  }
0x66: {  	_ =	shalt  }
0x67: {  	_ =	shalt  }
0x68: {  	_ =	shalt  }
0x69: {  	_ =	shalt  }
0x6a: {  	_ =	shalt  }
0x6b: {  	_ =	shalt  }
0x6c: {  	_ =	shalt  }
0x6d: {  	_ =	shalt  }
0x6e: {  	_ =	shalt  }
0x6f: {  	_ =	shalt  }
0x70: {  	_ =	shalt  }
0x71: {  	_ =	shalt  }
0x72: {  	_ =	shalt  }
0x73: {  	_ =	shalt  }
0x74: {  	_ =	shalt  }
0x75: {  	_ =	shalt  }
0x76: {  	_ =	shalt  }
0x77: {  	_ =	shalt  }
0x78: {  	_ =	shalt  }
0x79: {  	_ =	shalt  }
0x7a: {  	_ =	shalt  }
0x7b: {  	_ =	shalt  }
0x7c: {  	_ =	shalt  }
0x7d: {  	_ =	shalt  }
0x7e: {  	_ =	shalt  }
0x7f: {  	_ =	shalt  }
0x80: {  	_ =	shalt  }
0x81: {  	_ =	shalt  }
0x82: {  	_ =	shalt  }
0x83: {  	_ =	shalt  }
0x84: {  	_ =	shalt  }
0x85: {  	_ =	shalt  }
0x86: {  	_ =	shalt  }
0x87: {  	_ =	shalt  }
.Lfunc_end0:
.L_simem_size_0:
called_computation_lowered:
.L_overlay_start_0:
0x88: {  	s2 =	sld [smem:$0x3FD9]  }
0x89: {  	s3 =	sld [smem:$0x3FFE];
	_ =	sdelay $0x1  }
0x8a: {  	s1 =	srdreg.scid  }
0x8b: {  	s0 =	sand.u32 $0x1, s1  }
0x8c: {  	s18 =	sshll.u32 s0, $0xA;
	s2 =	sadd.s32 s3, s2  }
0x8d: {  	s2 =	sadd.s32 s2, s18  }
0x8e: {  	[smem:$0x3FC6] =	sst s2  }
0x8f: {  	_ = 	snop  }
0x90: {  	s2 =	sld [smem:$0x3FC9]  }
0x91: {  	s19 =	sld [smem:$0x3FC8]  }
0x92: {  	s4 =	sld [smem:$0x3FD0];
	(tm) =	ssettm $0x1  }
0x93: {  	s5 =	sld [smem:$0x3FFB];
	_ =	sdelay $0x3  }
0x94: {  	_ =	strace s5  }
0x95: {  	s5 =	sld [smem:$0x3FFC];
	_ =	sdelay $0x3  }
0x96: {  	_ =	strace s5  }
0x97: {  	s5 =	sld [smem:$0x3FFD];
	_ =	sdelay $0x3  }
0x98: {  	_ =	strace s5  }
0x99: {  	_ =	strace $0x8FFFFFFF  }
0x9a: {  	s20 =	sld [smem:$0x3FDB];
	_ =	sdelay $0x1  }
0x9b: {  	s6 =	simm.s32 $_scs_section_size  }
0x9c: {  	s7 =	simm.s32 $_size__tile_overlayer_lowered;
	s8 =	simm.s32 $_tile_overlayer_lowered  }
0x9d: {  	s23 =	simm.s32 $0x1BFF;
	s22 =	sshll.u32 s8, $0x1;
	s5 =	sadd.s32 s6, s20  }
0x9e: {  	s9 =	simm.s32 $0x0;
	s21 =	sshll.u32 s7, $0x1;
	s7 =	sadd.s32 s22, s5  }
0x9f: {  	[timem:s9], [sflag:s23] =	dma.local [hbm:s7], s21  }
0xa0: {  	_ =	swait.ge [sflag:s23], s21  }
0xa1: {  	s6 =	ssub.s32 $0x0, s21;
	[sflag:s23] =	ssyncset.done $0x0  }
0xa2: {  	[sflag:s23] =	ssyncadd.s32 s6;
	_ =	sdelay $0x1  }
0xa3: {  	s24 =	simm.s32 $0x1B8B  }
0xa4: {  	_ =	swait.ge [sflag:s24], $0x1  }
0xa5: {  	[sflag:s24] =	ssyncset.done $0x0  }
0xa6: {  	s25 =	simm.s32 $0x1B8E;
	[sflag:s24] =	ssyncadd.s32 $0xFFFFFFFF  }
0xa7: {  	s26 =	simm.s32 $execute0_lowered;
	[smem:$0x3FD2] =	sst s25  }
0xa8: {  	s6 =	sshll.u32 s26, $0x1;
	_ =	strace $0x80000046;
	[dreg:$0x1] =	wrdreg $0xFFFFFFFF  }
0xa9: {  	s28 =	simm.s32 $_size_execute0_lowered;
	s5 =	sadd.s32 s5, s6;
	[dreg:$0x0] =	wrdreg $0x0  }
0xaa: {  	s6 =	sshll.u32 s28, $0x1;
	[dreg:$0x2] =	wrdreg s5  }
0xab: {  	[dreg:$0x3] =	wrdreg s6  }
0xac: {  	[dreg:$0x4] =	wrdreg $0xC0  }
0xad: {  	_ =	task [dreg:s9], $0x5FFFF  }
0xae: {  	[dreg:$0x1] =	wrdreg $0xFFFFFFFF  }
0xaf: {  	[dreg:$0x0] =	wrdreg $0x60  }
0xb0: {  	[dreg:$0x2] =	wrdreg s2  }
0xb1: {  	[dreg:$0x3] =	wrdreg s19  }
0xb2: {  	[dreg:$0x4] =	wrdreg s4  }
0xb3: {  	[dreg:$0x5] =	wrdreg $0x1A8800  }
0xb4: {  	[dreg:$0x6] =	wrdreg $0x9  }
0xb5: {  	_ =	task.clear_ibuf [dreg:s9], $0x7FFFF;
	_ =	strace $0x90000046  }
0xb6: {  	s29 =	simm.s32 $0x9;
	_ =	strace $0x80000048  }
0xb7: {  	_ =	swait.ge [sflag:s29], $0x1  }
0xb8: {  	[sflag:s29] =	ssyncadd.s32 $0xFFFFFFFF  }
0xb9: {  	_ =	strace $0x90000048  }
0xba: {  	_ =	sfence  }
0xbb: {  	s30 =	sld [smem:$0x0];
	_ =	sdelay $0x2  }
0xbc: {  	s31 =	sshll.u32 s1, $0xD;
	s1 =	sshrl.u32 s1, $0x2  }
0xbd: {  	s3 =	sand.u32 $0x4000, s31;
	s1 =	sadd.s32 s1, s30  }
0xbe: {  	s0 =	sor.u32 s3, s0;
	s1 =	sshll.u32 s1, $0x11  }
0xbf: {  	s0 =	sor.u32 s1, s0  }
0xc0: {  	s0 =	sadd.s32 $0x8F2B, s0  }
0xc1: {  	[sflag:s0] =	ssyncadd.remote.s32 $0x1  }
0xc2: {  	_ =	sfence.sel $0xFFFF  }
0xc3: {  	[dreg:$0x0] =	wrdreg $0xFFFFFFFF;
	(pc) =	sbr.abs _section_cstart, $3  }
0xc4: {  	[dreg:$0x1] =	wrdreg $0xFFFFFFFF  }
0xc5: {  	_ =	task.clear_ibuf [dreg:s9], $0x2FFFF;
	_ =	strace $0x9FFFFFFF  }
0xc6: {  	(tm) =	ssettm $0x7FFFFFFF  }
0xc7: {  	_ =	shalt  }
tec
execute0_lowered:
.L_overlay_start_1:
0x0: {  	(tag) =	ssettag $0x1  }
0x1: {  	s6 =	rddreg [dreg:$0x0]  }
0x2: {  	s0 =	rddreg [dreg:$0x1]  }
0x3: {  	s7 =	rddreg [dreg:$0x2]  }
0x4: {  	s1 =	srdreg.scid;
	s8 =	stileid.u32  }
0x5: {  	s2 =	rddreg [dreg:$0x3];
	s3 =	simm.s32 $0x0;
	s13 =	simm.s32 $0x4C80  }
0x6: {  	s14 =	simm.s32 $0x8C80;
	s15 =	simm.s32 $0xCC80;
	s16 =	simm.s32 $0x10C80  }
0x7: {  	s17 =	simm.s32 $0x14C80;
	s18 =	simm.s32 $0x1;
	s19 =	simm.s32 $0x2  }
0x8: {  	s20 =	simm.s32 $0x3;
	s21 =	simm.s32 $0x4;
	s22 =	simm.s32 $0x5  }
0x9: {  	s23 =	simm.s32 $0x6;
	s24 =	simm.s32 $0x7;
	s25 =	simm.s32 $0x8  }
0xa: {  	s26 =	simm.s32 $0x0;
	s5 =	sand.u32 $0x1, s1;
	s4 =	sshll.u32 s8, $0x1  }
0xb: {  	[smem:$0x7FF] =	sst s3;
	s12 =	smul.u32 $0x18700, s8;
	p0 =	sne.s32 s8, $0x0  }
0xc: {  	s4 =	sor.u32 s5, s4;
	s9 =	ssub.s32 $0x2, s5;
	s30 =	smul.u32 $0xC380, s5  }
0xd: {  	_ =	strace $0x80000047;
	s5 =	sadd.s32 $0x2F59, s6;
	s10 =	smul.u32 $0xC38, s4  }
.Ltmp0:
0xe: {  	s11 =	sshrl.u32 s9, $0x1;
	s31 =	sadd.s32 s12, s7;
	(pc) =	sbr.rel .LBB2_1-.Ltmp0, $4  }
0xf: {  	s7 =	sadd.s32 $0x185C80, s7;
	p1 =	seq.s32 s4, $0x1F;
	s12 =	simm.s32 $0xC80  }
0x10: {  	p2 =	sne.s32 s4, $0x1F;
	s9 =	ssub.s32 s9, s11;
	s10 =	sshrl.u32 s10, $0x3  }
0x11: {  	s11 =	simm.s32 $0x80;
	s6 =	sadd.s32 s6, s10;
	s10 =	sadd.s32 s30, s31  }
0x12: {  	s8 =	smax.u32 s9, $0x1;
	s9 =	sadd.s32 $0x2000, s10;
	s10 =	sshrl.u32 @!p0 s2, $0x3  }
.LBB2_3:
0x13: {  	p4 =	sne.s32 @!p3 s4, $0x1F  }
0x14: {  	p4 =	por p4, p3  }
0x15: {  	s1 =	simm.s32 @!p4 $0x0;
	s29 =	simm.s32 @!p4 $0x10C80  }
0x16: {  	[hbm4b:s7+s1] =	stream.linear.scatter @!p4 [tilespmem:s29], [sflag:$0x9], $0x6C00, $0x38;
	[tilespmem:$0x1B880] =	vst v63  }
0x17: {  	s1 =	simm.s32 @p3 $0xA  }
0x18: {  	_ =	swait.ge @p3 [sflag:s1], $0x1C00  }
0x19: {  	[sflag:s1] =	ssyncset.done @p3 $0x0  }
0x1a: {  	s29 =	simm.s32 @p3 $0x10C80;
	[sflag:s1] =	ssyncadd.s32 @p3 $0xFFFFE400;
	s1 =	simm.s32 @p3 $0x0  }
0x1b: {  	[hbm4b:s28+s1] =	stream.linear.scatter @p3 [tilespmem:s29], [sflag:$0x9], $0x9C00, $0x38;
	[tilespmem:$0x1B880] =	vst v63  }
0x1c: {  	_ =	swait.ge [sflag:s24], $0x8000  }
0x1d: {  	[sflag:s24] =	ssyncset.done $0x0  }
0x1e: {  	[sflag:s24] =	ssyncadd.s32 $0xFFFF8000  }
0x1f: {  	_ =	swait.ge [sflag:s25], $0x8000  }
0x20: {  	[sflag:s25] =	ssyncset.done $0x0  }
0x21: {  	s26 =	sadd.s32 $0x1, s26;
	s1 =	simm.s32 @p1 $0x9;
	[sflag:s25] =	ssyncadd.s32 $0xFFFF8000  }
0x22: {  	p3 =	sne.s32 s26, s8;
	_ =	swait.ge @p1 [sflag:s1], $0x6C00  }
.Ltmp1:
0x23: {  	[sflag:s1] =	ssyncset.done @p1 $0x0;
	(pc) =	sbr.rel @!p3 .LBB2_4-.Ltmp1, $4  }
0x24: {  	[sflag:s1] =	ssyncadd.s32 @p1 $0xFFFF9400;
	s1 =	simm.s32 @!p1 $0x9  }
0x25: {  	_ =	swait.ge @!p1 [sflag:s1], $0x9C00  }
0x26: {  	[sflag:s1] =	ssyncset.done @!p1 $0x0  }
0x27: {  	[sflag:s1] =	ssyncadd.s32 @!p1 $0xFFFF6400  }
.LBB2_1:
0x28: {  	s28 =	simm.s32 @!p0 $0x1C0A  }
0x29: {  	[spmem:s10], [sflag:s28] =	dma.local @!p0 [hbm:s0], $0x2000  }
0x2a: {  	s28 =	simm.s32 @p1 $0x0  }
0x2b: {  	[tilespmem:s28], [sflag:$0xB] =	stream.linear.gather @p1 [hbm4b:s5+s28], $0xBD8, $0x38;
	[tilespmem:$0x1B880] =	vst v63  }
0x2c: {  	s28 =	simm.s32 @p1 $0xB  }
0x2d: {  	_ =	swait.ge @p1 [sflag:s28], $0xBD8  }
0x2e: {  	[sflag:s28] =	ssyncset.done @p1 $0x0  }
0x2f: {  	[sflag:s28] =	ssyncadd.s32 @p1 $0xFFFFF428;
	s28 =	simm.s32 @!p1 $0x0  }
0x30: {  	[tilespmem:s28], [sflag:$0xB] =	stream.linear.gather @!p1 [hbm4b:s6+s28], $0xC38, $0x38;
	[tilespmem:$0x1B880] =	vst v63  }
0x31: {  	s28 =	simm.s32 @!p1 $0xB  }
0x32: {  	_ =	swait.ge @!p1 [sflag:s28], $0xC38  }
0x33: {  	[sflag:s28] =	ssyncset.done @!p1 $0x0  }
0x34: {  	[sflag:s28] =	ssyncadd.s32 @!p1 $0xFFFFF3C8;
	s28 =	simm.s32 @!p0 $0xA  }
0x35: {  	_ =	swait.ge @!p0 [sflag:s28], $0x2000  }
0x36: {  	[sflag:s28] =	ssyncset.done @!p0 $0x0  }
0x37: {  	[sflag:s28] =	ssyncadd.s32 @!p0 $0xFFFFE000  }
0x38: {  	s29 =	simm.s32 $0x0;
	s28 =	smov.u32 s9;
	[bflag:$0x0] =	sbarrier.arrive $0xFFFF  }
.LBB2_2:
0x39: {  	s30 =	sshra.s32 s29, $0x2  }
0x3a: {  	v0 =	vld [tilespmem:s30+$0x0]  }
0x3b: {  	v1 =	vld [tilespmem:s30+$0x10]  }
0x3c: {  	v2 =	vld [tilespmem:s30+$0x20]  }
0x3d: {  	v3 =	vld [tilespmem:s30+$0x30]  }
0x3e: {  	v4 =	vld [tilespmem:s30+$0x40]  }
0x3f: {  	v5 =	vld [tilespmem:s30+$0x50];
	vm0 =	vgt.s32 v0, $0x0  }
0x40: {  	v6 =	vld [tilespmem:s30+$0x60];
	vm5 =	vgt.s32 v1, $0x0;
	v0 =	vnsel vm0, $0x0, v0  }
0x41: {  	v7 =	vld [tilespmem:s30+$0x70];
	vm6 =	vgt.s32 v2, $0x0;
	v1 =	vnsel vm5, $0x0, v1;
	v0 =	vmin.u32 v0, $0x1FF  }
0x42: {  	vm7 =	vgt.s32 v3, $0x0;
	v59 =	vnsel vm6, $0x0, v2;
	v58 =	vmin.u32 v1, $0x1FF;
	[tilespmem:s30+$0x0] =	vst v0  }
0x43: {  	vm8 =	vgt.s32 v4, $0x0;
	v61 =	vnsel vm7, $0x0, v3;
	v60 =	vmin.u32 v59, $0x1FF;
	[tilespmem:s30+$0x10] =	vst v58  }
0x44: {  	vm9 =	vgt.s32 v5, $0x0;
	v63 =	vnsel vm8, $0x0, v4;
	v62 =	vmin.u32 v61, $0x1FF;
	[tilespmem:s30+$0x20] =	vst v60  }
0x45: {  	vm10 =	vgt.s32 v6, $0x0;
	v8 =	vnsel vm9, $0x0, v5;
	v4 =	vmin.u32 v63, $0x1FF;
	[tilespmem:s30+$0x30] =	vst v62  }
0x46: {  	vm11 =	vgt.s32 v7, $0x0;
	v10 =	vnsel vm10, $0x0, v6;
	v9 =	vmin.u32 v8, $0x1FF;
	[tilespmem:s30+$0x40] =	vst v4  }
0x47: {  	v12 =	vnsel vm11, $0x0, v7;
	v11 =	vmin.u32 v10, $0x1FF;
	[tilespmem:s30+$0x50] =	vst v9  }
0x48: {  	p3 =	seq.s32 s29, $0x0;
	v13 =	vmin.u32 v12, $0x1FF;
	[tilespmem:s30+$0x60] =	vst v11  }
0x49: {  	s31 =	simm.s32 @!p3 $0x7;
	[tilespmem:s30+$0x70] =	vst v13  }
0x4a: {  	_ =	swait.ge @!p3 [sflag:s31], $0x8000  }
0x4b: {  	[sflag:s31] =	ssyncset.done @!p3 $0x0  }
0x4c: {  	[sflag:s31] =	ssyncadd.s32 @!p3 $0xFFFF8000  }
0x4d: {  	[tilespmem:s12], [sflag:$0x1] =	stream.indirect.gather [spmem:s2], $0x80, s30, s11, $0xb8;
	[tilespmem:$0x1B880] =	vst v63  }
0x4e: {  	v14 =	vld [tilespmem:s30+$0x80]  }
0x4f: {  	v15 =	vld [tilespmem:s30+$0x90]  }
0x50: {  	v16 =	vld [tilespmem:s30+$0xA0]  }
0x51: {  	v17 =	vld [tilespmem:s30+$0xB0]  }
0x52: {  	v18 =	vld [tilespmem:s30+$0xC0]  }
0x53: {  	v19 =	vld [tilespmem:s30+$0xD0];
	vm12 =	vgt.s32 v14, $0x0  }
0x54: {  	v20 =	vld [tilespmem:s30+$0xE0];
	vm13 =	vgt.s32 v15, $0x0;
	v0 =	vnsel vm12, $0x0, v14  }
0x55: {  	v21 =	vld [tilespmem:s30+$0xF0];
	vm14 =	vgt.s32 v16, $0x0;
	v1 =	vnsel vm13, $0x0, v15;
	v0 =	vmin.u32 v0, $0x1FF  }
0x56: {  	vm15 =	vgt.s32 v17, $0x0;
	v23 =	vnsel vm14, $0x0, v16;
	v22 =	vmin.u32 v1, $0x1FF;
	[tilespmem:s30+$0x80] =	vst v0  }
0x57: {  	vm4 =	vgt.s32 v18, $0x0;
	v25 =	vnsel vm15, $0x0, v17;
	v24 =	vmin.u32 v23, $0x1FF;
	[tilespmem:s30+$0x90] =	vst v22  }
0x58: {  	vm5 =	vgt.s32 v19, $0x0;
	v27 =	vnsel vm4, $0x0, v18;
	v26 =	vmin.u32 v25, $0x1FF;
	[tilespmem:s30+$0xA0] =	vst v24  }
0x59: {  	vm6 =	vgt.s32 v20, $0x0;
	v29 =	vnsel vm5, $0x0, v19;
	v28 =	vmin.u32 v27, $0x1FF;
	[tilespmem:s30+$0xB0] =	vst v26  }
0x5a: {  	vm7 =	vgt.s32 v21, $0x0;
	v31 =	vnsel vm6, $0x0, v20;
	v30 =	vmin.u32 v29, $0x1FF;
	[tilespmem:s30+$0xC0] =	vst v28  }
0x5b: {  	v33 =	vnsel vm7, $0x0, v21;
	v32 =	vmin.u32 v31, $0x1FF;
	[tilespmem:s30+$0xD0] =	vst v30  }
0x5c: {  	v34 =	vmin.u32 v33, $0x1FF;
	[tilespmem:s30+$0xE0] =	vst v32  }
0x5d: {  	s1 =	sadd.s32 $0x80, s30;
	[tilespmem:s30+$0xF0] =	vst v34  }
0x5e: {  	[tilespmem:s13], [sflag:$0x2] =	stream.indirect.gather [spmem:s2], $0x80, s1, s11, $0xb8;
	[tilespmem:$0x1B880] =	vst v63  }
0x5f: {  	v35 =	vld [tilespmem:s30+$0x100]  }
0x60: {  	v36 =	vld [tilespmem:s30+$0x110]  }
0x61: {  	v37 =	vld [tilespmem:s30+$0x120]  }
0x62: {  	v38 =	vld [tilespmem:s30+$0x130]  }
0x63: {  	v39 =	vld [tilespmem:s30+$0x140]  }
0x64: {  	v40 =	vld [tilespmem:s30+$0x150];
	vm8 =	vgt.s32 v35, $0x0  }
0x65: {  	v41 =	vld [tilespmem:s30+$0x160];
	vm9 =	vgt.s32 v36, $0x0;
	v0 =	vnsel vm8, $0x0, v35  }
0x66: {  	v42 =	vld [tilespmem:s30+$0x170];
	vm10 =	vgt.s32 v37, $0x0;
	v1 =	vnsel vm9, $0x0, v36;
	v0 =	vmin.u32 v0, $0x1FF  }
0x67: {  	vm11 =	vgt.s32 v38, $0x0;
	v44 =	vnsel vm10, $0x0, v37;
	v43 =	vmin.u32 v1, $0x1FF;
	[tilespmem:s30+$0x100] =	vst v0  }
0x68: {  	vm12 =	vgt.s32 v39, $0x0;
	v46 =	vnsel vm11, $0x0, v38;
	v45 =	vmin.u32 v44, $0x1FF;
	[tilespmem:s30+$0x110] =	vst v43  }
0x69: {  	vm13 =	vgt.s32 v40, $0x0;
	v48 =	vnsel vm12, $0x0, v39;
	v47 =	vmin.u32 v46, $0x1FF;
	[tilespmem:s30+$0x120] =	vst v45  }
0x6a: {  	vm14 =	vgt.s32 v41, $0x0;
	v50 =	vnsel vm13, $0x0, v40;
	v49 =	vmin.u32 v48, $0x1FF;
	[tilespmem:s30+$0x130] =	vst v47  }
0x6b: {  	vm15 =	vgt.s32 v42, $0x0;
	v52 =	vnsel vm14, $0x0, v41;
	v51 =	vmin.u32 v50, $0x1FF;
	[tilespmem:s30+$0x140] =	vst v49  }
0x6c: {  	v54 =	vnsel vm15, $0x0, v42;
	v53 =	vmin.u32 v52, $0x1FF;
	[tilespmem:s30+$0x150] =	vst v51  }
0x6d: {  	v55 =	vmin.u32 v54, $0x1FF;
	[tilespmem:s30+$0x160] =	vst v53  }
0x6e: {  	s31 =	simm.s32 @!p3 $0x8;
	[tilespmem:s30+$0x170] =	vst v55  }
0x6f: {  	_ =	swait.ge @!p3 [sflag:s31], $0x8000  }
0x70: {  	[sflag:s31] =	ssyncset.done @!p3 $0x0  }
0x71: {  	s1 =	sadd.s32 $0x100, s30;
	[sflag:s31] =	ssyncadd.s32 @!p3 $0xFFFF8000  }
0x72: {  	[tilespmem:s14], [sflag:$0x3] =	stream.indirect.gather [spmem:s2], $0x80, s1, s11, $0xb8;
	[tilespmem:$0x1B880] =	vst v63  }
0x73: {  	v56 =	vld [tilespmem:s30+$0x180]  }
0x74: {  	v57 =	vld [tilespmem:s30+$0x190]  }
0x75: {  	v58 =	vld [tilespmem:s30+$0x1A0]  }
0x76: {  	v59 =	vld [tilespmem:s30+$0x1B0]  }
0x77: {  	v60 =	vld [tilespmem:s30+$0x1C0]  }
0x78: {  	v61 =	vld [tilespmem:s30+$0x1D0];
	vm4 =	vgt.s32 v56, $0x0  }
0x79: {  	v62 =	vld [tilespmem:s30+$0x1E0];
	vm5 =	vgt.s32 v57, $0x0;
	v0 =	vnsel vm4, $0x0, v56  }
0x7a: {  	v63 =	vld [tilespmem:s30+$0x1F0];
	vm6 =	vgt.s32 v58, $0x0;
	v1 =	vnsel vm5, $0x0, v57;
	v0 =	vmin.u32 v0, $0x1FF  }
0x7b: {  	vm7 =	vgt.s32 v59, $0x0;
	v10 =	vnsel vm6, $0x0, v58;
	v9 =	vmin.u32 v1, $0x1FF;
	[tilespmem:s30+$0x180] =	vst v0  }
0x7c: {  	vm8 =	vgt.s32 v60, $0x0;
	v12 =	vnsel vm7, $0x0, v59;
	v11 =	vmin.u32 v10, $0x1FF;
	[tilespmem:s30+$0x190] =	vst v9  }
0x7d: {  	vm9 =	vgt.s32 v61, $0x0;
	v14 =	vnsel vm8, $0x0, v60;
	v13 =	vmin.u32 v12, $0x1FF;
	[tilespmem:s30+$0x1A0] =	vst v11  }
0x7e: {  	vm10 =	vgt.s32 v62, $0x0;
	v16 =	vnsel vm9, $0x0, v61;
	v15 =	vmin.u32 v14, $0x1FF;
	[tilespmem:s30+$0x1B0] =	vst v13  }
0x7f: {  	vm11 =	vgt.s32 v63, $0x0;
	v18 =	vnsel vm10, $0x0, v62;
	v17 =	vmin.u32 v16, $0x1FF;
	[tilespmem:s30+$0x1C0] =	vst v15  }
0x80: {  	v20 =	vnsel vm11, $0x0, v63;
	v19 =	vmin.u32 v18, $0x1FF;
	[tilespmem:s30+$0x1D0] =	vst v17  }
0x81: {  	v21 =	vmin.u32 v20, $0x1FF;
	[tilespmem:s30+$0x1E0] =	vst v19  }
0x82: {  	s31 =	sadd.s32 $0x180, s30;
	[tilespmem:s30+$0x1F0] =	vst v21  }
0x83: {  	[tilespmem:s15], [sflag:$0x4] =	stream.indirect.gather [spmem:s2], $0x80, s31, s11, $0xb8;
	[tilespmem:$0x1B880] =	vst v63  }
0x84: {  	v22 =	vld [tilespmem:s30+$0x200]  }
0x85: {  	v23 =	vld [tilespmem:s30+$0x210]  }
0x86: {  	v24 =	vld [tilespmem:s30+$0x220]  }
0x87: {  	v25 =	vld [tilespmem:s30+$0x230]  }
0x88: {  	v26 =	vld [tilespmem:s30+$0x240]  }
0x89: {  	v27 =	vld [tilespmem:s30+$0x250];
	vm12 =	vgt.s32 v22, $0x0  }
0x8a: {  	v28 =	vld [tilespmem:s30+$0x260];
	vm13 =	vgt.s32 v23, $0x0;
	v0 =	vnsel vm12, $0x0, v22  }
0x8b: {  	v29 =	vld [tilespmem:s30+$0x270];
	vm14 =	vgt.s32 v24, $0x0;
	v1 =	vnsel vm13, $0x0, v23;
	v0 =	vmin.u32 v0, $0x1FF  }
0x8c: {  	vm15 =	vgt.s32 v25, $0x0;
	v31 =	vnsel vm14, $0x0, v24;
	v30 =	vmin.u32 v1, $0x1FF;
	[tilespmem:s30+$0x200] =	vst v0  }
0x8d: {  	vm4 =	vgt.s32 v26, $0x0;
	v33 =	vnsel vm15, $0x0, v25;
	v32 =	vmin.u32 v31, $0x1FF;
	[tilespmem:s30+$0x210] =	vst v30  }
0x8e: {  	vm5 =	vgt.s32 v27, $0x0;
	v35 =	vnsel vm4, $0x0, v26;
	v34 =	vmin.u32 v33, $0x1FF;
	[tilespmem:s30+$0x220] =	vst v32  }
0x8f: {  	vm6 =	vgt.s32 v28, $0x0;
	v37 =	vnsel vm5, $0x0, v27;
	v36 =	vmin.u32 v35, $0x1FF;
	[tilespmem:s30+$0x230] =	vst v34  }
0x90: {  	vm7 =	vgt.s32 v29, $0x0;
	v39 =	vnsel vm6, $0x0, v28;
	v38 =	vmin.u32 v37, $0x1FF;
	[tilespmem:s30+$0x240] =	vst v36  }
0x91: {  	v41 =	vnsel vm7, $0x0, v29;
	v40 =	vmin.u32 v39, $0x1FF;
	[tilespmem:s30+$0x250] =	vst v38  }
0x92: {  	v42 =	vmin.u32 v41, $0x1FF;
	[tilespmem:s30+$0x260] =	vst v40  }
0x93: {  	s1 =	simm.s32 @!p3 $0x9;
	[tilespmem:s30+$0x270] =	vst v42  }
0x94: {  	_ =	swait.ge @!p3 [sflag:s1], $0x8000  }
0x95: {  	[sflag:s1] =	ssyncset.done @!p3 $0x0  }
0x96: {  	s31 =	sadd.s32 $0x200, s30;
	[sflag:s1] =	ssyncadd.s32 @!p3 $0xFFFF8000  }
0x97: {  	[tilespmem:s16], [sflag:$0x5] =	stream.indirect.gather [spmem:s2], $0x80, s31, s11, $0xb8;
	[tilespmem:$0x1B880] =	vst v63  }
0x98: {  	v43 =	vld [tilespmem:s30+$0x280]  }
0x99: {  	v44 =	vld [tilespmem:s30+$0x290]  }
0x9a: {  	v45 =	vld [tilespmem:s30+$0x2A0]  }
0x9b: {  	v46 =	vld [tilespmem:s30+$0x2B0]  }
0x9c: {  	v47 =	vld [tilespmem:s30+$0x2C0]  }
0x9d: {  	v48 =	vld [tilespmem:s30+$0x2D0];
	vm8 =	vgt.s32 v43, $0x0  }
0x9e: {  	v49 =	vld [tilespmem:s30+$0x2E0];
	vm9 =	vgt.s32 v44, $0x0;
	v0 =	vnsel vm8, $0x0, v43  }
0x9f: {  	v50 =	vld [tilespmem:s30+$0x2F0];
	vm10 =	vgt.s32 v45, $0x0;
	v1 =	vnsel vm9, $0x0, v44;
	v0 =	vmin.u32 v0, $0x1FF  }
0xa0: {  	vm11 =	vgt.s32 v46, $0x0;
	v52 =	vnsel vm10, $0x0, v45;
	v51 =	vmin.u32 v1, $0x1FF;
	[tilespmem:s30+$0x280] =	vst v0  }
0xa1: {  	vm12 =	vgt.s32 v47, $0x0;
	v54 =	vnsel vm11, $0x0, v46;
	v53 =	vmin.u32 v52, $0x1FF;
	[tilespmem:s30+$0x290] =	vst v51  }
0xa2: {  	vm13 =	vgt.s32 v48, $0x0;
	v56 =	vnsel vm12, $0x0, v47;
	v55 =	vmin.u32 v54, $0x1FF;
	[tilespmem:s30+$0x2A0] =	vst v53  }
0xa3: {  	vm14 =	vgt.s32 v49, $0x0;
	v58 =	vnsel vm13, $0x0, v48;
	v57 =	vmin.u32 v56, $0x1FF;
	[tilespmem:s30+$0x2B0] =	vst v55  }
0xa4: {  	vm15 =	vgt.s32 v50, $0x0;
	v60 =	vnsel vm14, $0x0, v49;
	v59 =	vmin.u32 v58, $0x1FF;
	[tilespmem:s30+$0x2C0] =	vst v57  }
0xa5: {  	p6 =	seq.s32 s29, $0x2400;
	v62 =	vnsel vm15, $0x0, v50;
	v61 =	vmin.u32 v60, $0x1FF;
	[tilespmem:s30+$0x2D0] =	vst v59  }
0xa6: {  	p3 =	por !p2, !p6;
	v63 =	vmin.u32 v62, $0x1FF;
	[tilespmem:s30+$0x2E0] =	vst v61  }
0xa7: {  	s31 =	sadd.s32 $0x280, s30;
	p3 =	por !p3, !p3;
	[tilespmem:s30+$0x2F0] =	vst v63  }
0xa8: {  	[tilespmem:s17], [sflag:$0x6] =	stream.indirect.gather [spmem:s2], $0x80, s31, s11, $0xb8;
	[tilespmem:$0x1B880] =	vst v63  }
0xa9: {  	v0 =	vld @p3 [tilespmem:$0xC00]  }
0xaa: {  	v1 =	vld @p3 [tilespmem:$0xC10]  }
0xab: {  	v2 =	vld @p3 [tilespmem:$0xC20]  }
0xac: {  	v3 =	vld @p3 [tilespmem:$0xC30];
	_ =	sdelay $0x1  }
0xad: {  	vm0 =	vgt.s32 @p3 v0, $0x0  }
0xae: {  	v0 =	vnsel @p3 vm0, $0x0, v0;
	vm0 =	vgt.s32 @p3 v1, $0x0  }
0xaf: {  	v0 =	vmin.u32 @p3 v0, $0x1FF;
	v1 =	vnsel @p3 vm0, $0x0, v1;
	vm0 =	vgt.s32 @p3 v2, $0x0  }
0xb0: {  	[tilespmem:$0xC00] =	vst @p3 v0;
	v0 =	vmin.u32 @p3 v1, $0x1FF;
	v1 =	vnsel @p3 vm0, $0x0, v2;
	vm0 =	vgt.s32 @p3 v3, $0x0  }
0xb1: {  	[tilespmem:$0xC10] =	vst @p3 v0;
	v0 =	vnsel @p3 vm0, $0x0, v3;
	v1 =	vmin.u32 @p3 v1, $0x1FF  }
0xb2: {  	[tilespmem:$0xC20] =	vst @p3 v1;
	v0 =	vmin.u32 @p3 v0, $0x1FF  }
0xb3: {  	s1 =	simm.s32 @p3 $0x38;
	s30 =	simm.s32 @p3 $0xC00;
	s31 =	simm.s32 @p3 $0x18C80;
	[tilespmem:$0xC30] =	vst @p3 v0  }
0xb4: {  	[tilespmem:s31], [sflag:$0xA] =	stream.indirect.gather @p3 [spmem:s2], $0x80, s30, s1, $0xb8;
	[tilespmem:$0x1B880] =	vst v63  }
0xb5: {  	_ =	swait.ge [sflag:s18], $0x4000  }
0xb6: {  	[sflag:s18] =	ssyncset.done $0x0  }
0xb7: {  	[sflag:s18] =	ssyncadd.s32 $0xFFFFC000  }
0xb8: {  	_ =	swait.ge [sflag:s19], $0x4000  }
0xb9: {  	[sflag:s19] =	ssyncset.done $0x0  }
0xba: {  	s30 =	sadd.s32 $0xFFFFE000, s28;
	[sflag:s19] =	ssyncadd.s32 $0xFFFFC000  }
0xbb: {  	[hbm4b:s30+s3] =	stream.linear.scatter [tilespmem:s12], [sflag:$0x7], $0x8000, $0x38;
	[tilespmem:$0x1B880] =	vst v63  }
0xbc: {  	_ =	swait.ge [sflag:s20], $0x4000  }
0xbd: {  	[sflag:s20] =	ssyncset.done $0x0  }
0xbe: {  	[sflag:s20] =	ssyncadd.s32 $0xFFFFC000  }
0xbf: {  	_ =	swait.ge [sflag:s21], $0x4000  }
0xc0: {  	[sflag:s21] =	ssyncset.done $0x0  }
0xc1: {  	s31 =	sadd.s32 $0xFFFFF000, s28;
	[sflag:s21] =	ssyncadd.s32 $0xFFFFC000  }
0xc2: {  	[hbm4b:s31+s3] =	stream.linear.scatter [tilespmem:s14], [sflag:$0x8], $0x8000, $0x38;
	[tilespmem:$0x1B880] =	vst v63  }
0xc3: {  	p4 =	sne.s32 s29, $0x2400;
	_ =	swait.ge [sflag:s22], $0x4000  }
.Ltmp2:
0xc4: {  	[sflag:s22] =	ssyncset.done $0x0;
	(pc) =	sbr.rel @!p4 .LBB2_3-.Ltmp2, $4  }
0xc5: {  	[sflag:s22] =	ssyncadd.s32 $0xFFFFC000  }
0xc6: {  	_ =	swait.ge [sflag:s23], $0x4000  }
0xc7: {  	[sflag:s23] =	ssyncset.done $0x0  }
0xc8: {  	[sflag:s23] =	ssyncadd.s32 $0xFFFFC000  }
.Ltmp3:
0xc9: {  	(pc) =	sbr.rel .LBB2_2-.Ltmp3, $3  }
0xca: {  	_ =	sdelay $0x1  }
0xcb: {  	[hbm4b:s28+s3] =	stream.linear.scatter [tilespmem:s16], [sflag:$0x9], $0x8000, $0x38;
	[tilespmem:$0x1B880] =	vst v63  }
0xcc: {  	s28 =	sadd.s32 $0x3000, s28;
	s29 =	sadd.s32 $0xC00, s29  }
.LBB2_4:
0xcd: {  	_ =	sfence.sel $0x180000  }
0xce: {  	[bflag:$0x0] =	sbarrier.arrive $0xFFFF  }
0xcf: {  	_ =	strace $0x90000047  }
0xd0: {  	[bflag:$0x2] =	sbarrier.arrive $0xFFFF  }
0xd1: {  	s0 =	rddreg [dreg:$0x4]  }
0xd2: {  	s0 =	sadd.s32 @!p0 $0x100000, s0  }
0xd3: {  	[sflag:s0] =	ssyncadd.tile.s32 @!p0 $0x1;
	_ =	shalt  }
.Lfunc_end2:
_tile_overlayer_lowered:
.L_overlay_start_2:
0xd4: {  	(tag) =	ssettag $0x2  }
0xd5: {  	s0 =	rddreg [dreg:$0x0];
	s2 =	stileid.u32  }
0xd6: {  	s1 =	rddreg [dreg:$0x1];
	p0 =	sne.s32 s2, $0x0  }
0xd7: {  	s3 =	rddreg [dreg:$0x2];
	[bflag:$0x3] =	sbarrier.arrive $0xFFFF;
	s2 =	simm.s32 @!p0 $0x1C0B  }
0xd8: {  	[timem:s3], [sflag:s2] =	dma.local @!p0 [hbm:s0], s1  }
0xd9: {  	s0 =	simm.s32 @!p0 $0xB  }
0xda: {  	_ =	swait.ge @!p0 [sflag:s0], s1  }
0xdb: {  	s1 =	ssub.s32 @!p0 $0x0, s1;
	[sflag:s0] =	ssyncset.done @!p0 $0x0  }
0xdc: {  	[sflag:s0] =	ssyncadd.s32 @!p0 s1  }
0xdd: {  	[bflag:$0x3] =	sbarrier.arrive $0xFFFF  }
0xde: {  	_ =	shalt  }

</sc_bundles>
